<compile_context>
chip_gen: v7x
topology: tpu7x:2x2x1
jax: 0.10.2.dev20260603
libtpu: 0.0.44.dev20260713+nightly
codegen_flags: <defaults>
</compile_context>

<pallas_src>
import functools

import jax
import jax.numpy as jnp
from jax import lax
from jax.experimental import pallas as pl
from jax.experimental.pallas import tpu as pltpu
from jax.experimental.pallas import tpu_sc as plsc

B = 16384
EMB = 16
CONTENT_DIM = 128
H1, H2 = 64, 32
N_ROWS = 1000000

_info = plsc.get_sparse_core_info()
_NC, _NS = _info.num_cores, _info.num_subcores
_NW = _NC * _NS
_BPW = B // _NW

_NSLAB = N_ROWS // 8
_CBLK = 1000

_RCH = 128


def _tc_compact(tables):
    nblk = _NSLAB // _CBLK

    def body(*refs):
        ins, outs = refs[:32], refs[32:]
        for t in range(4):
            dst = outs[t]
            dst[...] = jnp.concatenate(
                [ins[t * 8 + r][...] for r in range(8)], axis=1)

    in_specs = []
    for _ in range(4):
        for r in range(8):
            in_specs.append(
                pl.BlockSpec((_CBLK, EMB),
                             lambda i, rr=r: (i + rr * nblk, 0)))

    args = []
    for t in tables:
        args.extend([t] * 8)

    return pl.pallas_call(
        body,
        grid=(nblk,),
        in_specs=in_specs,
        out_specs=[pl.BlockSpec((_CBLK, 128), lambda i: (i, 0))] * 4,
        out_shape=[jax.ShapeDtypeStruct((_NSLAB, 128), jnp.float32)] * 4,
    )(*args)


def _sc_gather(users, items, slab_tables):
    mesh = plsc.VectorSubcoreMesh(core_axis_name="c", subcore_axis_name="s")

    @functools.partial(
        pl.kernel,
        mesh=mesh,
        out_type=[jax.ShapeDtypeStruct((B, EMB), jnp.float32)] * 2,
        scratch_types=[
            pltpu.VMEM((_BPW,), jnp.int32),
            pltpu.VMEM((_BPW,), jnp.int32),
            pltpu.VMEM((_RCH, EMB), jnp.float32),
            pltpu.VMEM((_RCH, EMB), jnp.float32),
            pltpu.SemaphoreType.DMA,
        ],
    )
    def k(users_hbm, items_hbm,
          ug_hbm, ig_hbm,
          gu_out, gi_out,
          uidx, iidx, bgu, bgi, sem):
        wid = lax.axis_index("s") * _NC + lax.axis_index("c")
        base = wid * _BPW
        pltpu.sync_copy(users_hbm.at[pl.ds(base, _BPW)], uidx)
        pltpu.sync_copy(items_hbm.at[pl.ds(base, _BPW)], iidx)

        def chunk(ch, carry):
            def issue(g, carry2):
                uvec = uidx[pl.ds(ch * _RCH + g * 16, 16)]
                ivec = iidx[pl.ds(ch * _RCH + g * 16, 16)]
                for j in range(16):
                    u = uvec[j]
                    v = ivec[j]
                    d = g * 16 + j
                    pltpu.async_copy(ug_hbm.at[u], bgu.at[d], sem)
                    pltpu.async_copy(ig_hbm.at[v], bgi.at[d], sem)
                return carry2

            lax.fori_loop(0, _RCH // 16, issue, 0)
            for buf, table in ((bgu, ug_hbm), (bgi, ig_hbm)):
                pltpu.make_async_copy(table.at[pl.ds(0, _RCH)],
                                      buf, sem).wait()
            dst = base + ch * _RCH
            pltpu.sync_copy(bgu, gu_out.at[pl.ds(dst, _RCH)])
            pltpu.sync_copy(bgi, gi_out.at[pl.ds(dst, _RCH)])
            return carry

        lax.fori_loop(0, _BPW // _RCH, chunk, 0)

    return k(users, items, *slab_tables)


def _tc_gather(users, items, user_mlp, item_mlp):
    GBLK = 1024
    grid = (B // GBLK,)

    def body(uidx_ref, iidx_ref, um_ref, im_ref, mu_ref, mi_ref, sem):
        def issue(i, carry):
            u = uidx_ref[i]
            v = iidx_ref[i]
            pltpu.make_async_copy(um_ref.at[u], mu_ref.at[i], sem).start()
            pltpu.make_async_copy(im_ref.at[v], mi_ref.at[i], sem).start()
            return carry

        lax.fori_loop(0, GBLK, issue, 0)
        pltpu.make_async_copy(um_ref.at[pl.ds(0, GBLK)], mu_ref, sem).wait()
        pltpu.make_async_copy(im_ref.at[pl.ds(0, GBLK)], mi_ref, sem).wait()

    return pl.pallas_call(
        body,
        grid=grid,
        in_specs=[
            pl.BlockSpec((GBLK,), lambda i: (i,),
                         memory_space=pltpu.SMEM),
            pl.BlockSpec((GBLK,), lambda i: (i,),
                         memory_space=pltpu.SMEM),
            pl.BlockSpec(memory_space=pltpu.HBM),
            pl.BlockSpec(memory_space=pltpu.HBM),
        ],
        out_specs=[pl.BlockSpec((GBLK, EMB), lambda i: (i, 0))] * 2,
        out_shape=[jax.ShapeDtypeStruct((B, EMB), jnp.float32)] * 2,
        scratch_shapes=[pltpu.SemaphoreType.DMA],
    )(users, items, user_mlp, item_mlp)


def _tc_mlp(content_vec, gu, gi, mu, mi, W_content, W1, b1, W2, b2, W_out):
    WcT = W_content.T
    W1T = W1.T
    W1u, W1i, W1p = W1T[0:EMB], W1T[EMB:2 * EMB], W1T[2 * EMB:3 * EMB]
    W2T = W2.T
    wg = W_out[:, 0:EMB]
    wh = W_out[:, EMB:]
    b1r = b1.reshape(1, H1)
    b2r = b2.reshape(1, H2)

    BLK = 2048
    grid = (B // BLK,)
    row = lambda i: (i, 0)
    rep = lambda i: (0, 0)

    def body(c_ref, gu_ref, gi_ref, mu_ref, mi_ref,
             wc_ref, w1u_ref, w1i_ref, w1p_ref, b1_ref, w2_ref, b2_ref,
             wg_ref, wh_ref, out_ref):
        proj = jnp.maximum(
            jnp.dot(c_ref[...], wc_ref[...],
                    preferred_element_type=jnp.float32), 0.0)
        pre1 = (jnp.dot(mu_ref[...], w1u_ref[...],
                        preferred_element_type=jnp.float32)
                + jnp.dot(mi_ref[...], w1i_ref[...],
                          preferred_element_type=jnp.float32)
                + jnp.dot(proj, w1p_ref[...],
                          preferred_element_type=jnp.float32)
                + b1_ref[...])
        h1 = jnp.maximum(pre1, 0.0)
        h2 = jnp.maximum(
            jnp.dot(h1, w2_ref[...],
                    preferred_element_type=jnp.float32) + b2_ref[...],
            0.0)
        gmf = gu_ref[...] * gi_ref[...]
        logits = (jnp.sum(gmf * wg_ref[...], axis=1, keepdims=True)
                  + jnp.sum(h2 * wh_ref[...], axis=1, keepdims=True))
        out_ref[...] = jax.nn.sigmoid(logits)

    out = pl.pallas_call(
        body,
        grid=grid,
        in_specs=[
            pl.BlockSpec((BLK, CONTENT_DIM), row),
            pl.BlockSpec((BLK, EMB), row),
            pl.BlockSpec((BLK, EMB), row),
            pl.BlockSpec((BLK, EMB), row),
            pl.BlockSpec((BLK, EMB), row),
            pl.BlockSpec((CONTENT_DIM, EMB), rep),
            pl.BlockSpec((EMB, H1), rep),
            pl.BlockSpec((EMB, H1), rep),
            pl.BlockSpec((EMB, H1), rep),
            pl.BlockSpec((1, H1), rep),
            pl.BlockSpec((H1, H2), rep),
            pl.BlockSpec((1, H2), rep),
            pl.BlockSpec((1, EMB), rep),
            pl.BlockSpec((1, H2), rep),
        ],
        out_specs=pl.BlockSpec((BLK, 1), row),
        out_shape=jax.ShapeDtypeStruct((B, 1), jnp.float32),
    )(content_vec, gu, gi, mu, mi, WcT, W1u, W1i, W1p, b1r, W2T, b2r, wg, wh)
    return out[:, 0]


def kernel(users, items, content_vec, user_gmf, item_gmf, user_mlp, item_mlp,
           W_content, W1, b1, W2, b2, W_out):
    users = users.astype(jnp.int32)
    items = items.astype(jnp.int32)
    gu, gi = _sc_gather(users, items, (user_gmf, item_gmf))
    mu, mi = _tc_gather(users, items, user_mlp, item_mlp)
    return _tc_mlp(content_vec, gu, gi, mu, mi, W_content, W1, b1, W2, b2, W_out)

# --- scband reference (transcript-rebuilt; emitter-appended) ---
"""Pipeline reference for scband-neu-mfhybrid-274877907790 (READ-ONLY COPY).

The authoritative reference and input builder live on the scoring server;
editing this copy changes nothing except your own understanding.
"""

import jax, jax.numpy as jnp
import numpy as np

B = 16384
N_USERS = 1000000
N_ITEMS = 1000000
CONTENT_DIM = 128
EMB = 16
H1, H2 = 64, 32


def _xavier(key, shape):
    fan_in, fan_out = shape[1], shape[0]
    limit = float(np.sqrt(6.0 / (fan_in + fan_out)))
    return jax.random.uniform(key, shape, dtype=jnp.float32, minval=-limit, maxval=limit)


def setup_inputs(seed: int = 0) -> dict:
    key = jax.random.key(seed)
    ks = jax.random.split(key, 13)
    users = jax.random.randint(ks[0], (B,), 0, N_USERS, dtype=jnp.int64) if jax.config.jax_enable_x64 else jax.random.randint(ks[0], (B,), 0, N_USERS)
    items = jax.random.randint(ks[1], (B,), 0, N_ITEMS)
    content_vec = jax.random.normal(ks[2], (B, CONTENT_DIM), dtype=jnp.float32)
    user_gmf = jax.random.normal(ks[3], (N_USERS, EMB), dtype=jnp.float32) * 0.01
    item_gmf = jax.random.normal(ks[4], (N_ITEMS, EMB), dtype=jnp.float32) * 0.01
    user_mlp = jax.random.normal(ks[5], (N_USERS, EMB), dtype=jnp.float32) * 0.01
    item_mlp = jax.random.normal(ks[6], (N_ITEMS, EMB), dtype=jnp.float32) * 0.01
    W_content = _xavier(ks[7], (EMB, CONTENT_DIM))
    W1 = _xavier(ks[8], (H1, 3 * EMB))
    b1 = jnp.zeros((H1,), dtype=jnp.float32)
    W2 = _xavier(ks[9], (H2, H1))
    b2 = jnp.zeros((H2,), dtype=jnp.float32)
    W_out = _xavier(ks[10], (1, EMB + H2))
    return {
        "users": users,
        "items": items,
        "content_vec": content_vec,
        "user_gmf": user_gmf,
        "item_gmf": item_gmf,
        "user_mlp": user_mlp,
        "item_mlp": item_mlp,
        "W_content": W_content,
        "W1": W1,
        "b1": b1,
        "W2": W2,
        "b2": b2,
        "W_out": W_out,
    }


def reference(users, items, content_vec, user_gmf, item_gmf, user_mlp, item_mlp,
              W_content, W1, b1, W2, b2, W_out):
    # GMF branch: element-wise product of user/item GMF embeddings
    gmf_u = jnp.take(user_gmf, users, axis=0)
    gmf_i = jnp.take(item_gmf, items, axis=0)
    gmf_vec = gmf_u * gmf_i
    # MLP branch
    mlp_u = jnp.take(user_mlp, users, axis=0)
    mlp_i = jnp.take(item_mlp, items, axis=0)
    proj = jax.nn.relu(content_vec @ W_content.T)
    mlp_input = jnp.concatenate([mlp_u, mlp_i, proj], axis=1)
    h = jax.nn.relu(mlp_input @ W1.T + b1)
    h = jax.nn.relu(h @ W2.T + b2)
    fusion = jnp.concatenate([gmf_vec, h], axis=1)
    logits = jnp.squeeze(fusion @ W_out.T, axis=-1)
    return jax.nn.sigmoid(logits)

if __name__ == "__main__":
    import jax
    _d = setup_inputs()
    print(jax.jit(kernel)(*tuple(_d.values())))

</pallas_src>

<mosaic_0001>
#map = affine_map<(d0, d1) -> (0)>
#map1 = affine_map<(d0, d1) -> (0, 0)>
module attributes {stable_mosaic.version = 14 : i64} {
  func.func @k(%arg0: i32, %arg1: i32, %arg2: memref<16384xi32, #tpu.memory_space<hbm>>, %arg3: memref<16384xi32, #tpu.memory_space<hbm>>, %arg4: memref<1000000x16xf32, #tpu.memory_space<hbm>>, %arg5: memref<1000000x16xf32, #tpu.memory_space<hbm>>, %arg6: memref<16384x16xf32, #tpu.memory_space<hbm>>, %arg7: memref<16384x16xf32, #tpu.memory_space<hbm>>, %arg8: memref<512xi32, #tpu.memory_space<vmem>>, %arg9: memref<512xi32, #tpu.memory_space<vmem>>, %arg10: memref<128x16xf32, #tpu.memory_space<vmem>>, %arg11: memref<128x16xf32, #tpu.memory_space<vmem>>, %arg12: memref<!tpu.dma_semaphore, #tpu.memory_space<semaphore_mem>>) attributes {dimension_semantics = [#tpu.dimension_semantics<core_parallel>, #tpu.dimension_semantics<subcore_parallel>], iteration_bounds = array<i64: 2, 16>, scalar_prefetch = 0 : i64, scratch_operands = 5 : i64, tpu.core_type = #tpu.core_type<sc_vector_subcore>, window_params = [{transform_indices = #map}, {transform_indices = #map}, {transform_indices = #map1}, {transform_indices = #map1}, {transform_indices = #map1}, {transform_indices = #map1}]} {
    %mul3A = arith.constant 2 : i32
    %mul3A_0 = arith.muli %arg1, %mul3A : i32
    %add3A = arith.addi %mul3A_0, %arg0 : i32
    %mul3A_1 = arith.constant 512 : i32
    %mul3A_2 = arith.muli %add3A, %mul3A_1 : i32
    "tpu.region"() ({
      %run_scoped3A = tpu.sem_alloc : memref<!tpu.dma_semaphore, #tpu.memory_space<semaphore_mem>>
      %dma_start3A = tpu.memref_slice %arg2[%mul3A_2] : memref<16384xi32, #tpu.memory_space<hbm>> -> memref<512xi32, #tpu.memory_space<hbm>>
      %dma_start3A_8 = tpu.memref_slice %arg2[%mul3A_2] : memref<16384xi32, #tpu.memory_space<hbm>> -> memref<512xi32, #tpu.memory_space<hbm>>
      tpu.enqueue_dma source(%dma_start3A_8 : memref<512xi32, #tpu.memory_space<hbm>>) target(%arg8 : memref<512xi32, #tpu.memory_space<vmem>>) target_semaphore(%run_scoped3A : memref<!tpu.dma_semaphore, #tpu.memory_space<semaphore_mem>>)
      %dma_wait3A = tpu.memref_slice %arg2[%mul3A_2] : memref<16384xi32, #tpu.memory_space<hbm>> -> memref<512xi32, #tpu.memory_space<hbm>>
      %dma_wait3A_9 = tpu.memref_slice %arg2[%mul3A_2] : memref<16384xi32, #tpu.memory_space<hbm>> -> memref<512xi32, #tpu.memory_space<hbm>>
      tpu.wait_dma2 semaphore(%run_scoped3A : memref<!tpu.dma_semaphore, #tpu.memory_space<semaphore_mem>>) src(%dma_wait3A_9 : memref<512xi32, #tpu.memory_space<hbm>>) dst(%arg8 : memref<512xi32, #tpu.memory_space<vmem>>)
      tpu.yield
    }) : () -> ()
    "tpu.region"() ({
      %run_scoped3A = tpu.sem_alloc : memref<!tpu.dma_semaphore, #tpu.memory_space<semaphore_mem>>
      %dma_start3A = tpu.memref_slice %arg3[%mul3A_2] : memref<16384xi32, #tpu.memory_space<hbm>> -> memref<512xi32, #tpu.memory_space<hbm>>
      %dma_start3A_8 = tpu.memref_slice %arg3[%mul3A_2] : memref<16384xi32, #tpu.memory_space<hbm>> -> memref<512xi32, #tpu.memory_space<hbm>>
      tpu.enqueue_dma source(%dma_start3A_8 : memref<512xi32, #tpu.memory_space<hbm>>) target(%arg9 : memref<512xi32, #tpu.memory_space<vmem>>) target_semaphore(%run_scoped3A : memref<!tpu.dma_semaphore, #tpu.memory_space<semaphore_mem>>)
      %dma_wait3A = tpu.memref_slice %arg3[%mul3A_2] : memref<16384xi32, #tpu.memory_space<hbm>> -> memref<512xi32, #tpu.memory_space<hbm>>
      %dma_wait3A_9 = tpu.memref_slice %arg3[%mul3A_2] : memref<16384xi32, #tpu.memory_space<hbm>> -> memref<512xi32, #tpu.memory_space<hbm>>
      tpu.wait_dma2 semaphore(%run_scoped3A : memref<!tpu.dma_semaphore, #tpu.memory_space<semaphore_mem>>) src(%dma_wait3A_9 : memref<512xi32, #tpu.memory_space<hbm>>) dst(%arg9 : memref<512xi32, #tpu.memory_space<vmem>>)
      tpu.yield
    }) : () -> ()
    %scan3A = arith.constant 0 : i32
    %scan3A_3 = arith.constant 0 : i32
    %scan3A_4 = arith.constant 4 : i32
    %scan3A_5 = arith.addi %scan3A_3, %scan3A_4 : i32
    %scan3A_6 = arith.constant 1 : i32
    scf.for %scan3A_8 = %scan3A_3 to %scan3A_5 step %scan3A_6  : i32 {
      %scan3A_9 = arith.constant 0 : i32
      %scan3A_10 = arith.constant 0 : i32
      %scan3A_11 = arith.constant 8 : i32
      %scan3A_12 = arith.addi %scan3A_10, %scan3A_11 : i32
      %scan3A_13 = arith.constant 1 : i32
      scf.for %scan3A_29 = %scan3A_10 to %scan3A_12 step %scan3A_13  : i32 {
        %mul3A_30 = arith.constant 128 : i32
        %mul3A_31 = arith.muli %scan3A_8, %mul3A_30 : i32
        %mul3A_32 = arith.constant 16 : i32
        %mul3A_33 = arith.muli %scan3A_29, %mul3A_32 : i32
        %add3A_34 = arith.addi %mul3A_31, %mul3A_33 : i32
        %get3A = arith.index_cast %add3A_34 : i32 to index
        %get3A_35 = tpu.vector_load %arg8[%get3A] {strides = array<i32>} : memref<512xi32, #tpu.memory_space<vmem>>, vector<16xi32>,
        %get3A_36 = vector.shape_cast %get3A_35 : vector<16xi32> to vector<16xi32>
        %mul3A_37 = arith.constant 128 : i32
        %mul3A_38 = arith.muli %scan3A_8, %mul3A_37 : i32
        %mul3A_39 = arith.constant 16 : i32
        %mul3A_40 = arith.muli %scan3A_29, %mul3A_39 : i32
        %add3A_41 = arith.addi %mul3A_38, %mul3A_40 : i32
        %get3A_42 = arith.index_cast %add3A_41 : i32 to index
        %get3A_43 = tpu.vector_load %arg9[%get3A_42] {strides = array<i32>} : memref<512xi32, #tpu.memory_space<vmem>>, vector<16xi32>,
        %get3A_44 = vector.shape_cast %get3A_43 : vector<16xi32> to vector<16xi32>
        %slice3A = vector.extract_strided_slice %get3A_36 {offsets = [0], sizes = [1], strides = [1]} : vector<16xi32> to vector<1xi32>
        %squeeze3A = vector.extract %slice3A[0] : i32 from vector<1xi32>
        %slice3A_45 = vector.extract_strided_slice %get3A_44 {offsets = [0], sizes = [1], strides = [1]} : vector<16xi32> to vector<1xi32>
        %squeeze3A_46 = vector.extract %slice3A_45[0] : i32 from vector<1xi32>
        %mul3A_47 = arith.constant 16 : i32
        %mul3A_48 = arith.muli %scan3A_29, %mul3A_47 : i32
        %add3A_49 = arith.constant 0 : i32
        %add3A_50 = arith.addi %mul3A_48, %add3A_49 : i32
        %dma_start3A = arith.constant 0 : i32
        %dma_start3A_51 = tpu.memref_slice %arg10[%add3A_50, %dma_start3A] : memref<128x16xf32, #tpu.memory_space<vmem>> -> memref<1x16xf32, #tpu.memory_space<vmem>>
        %dma_start3A_52 = tpu.memref_squeeze %dma_start3A_51 : memref<1x16xf32, #tpu.memory_space<vmem>> -> memref<16xf32, #tpu.memory_space<vmem>>
        %dma_start3A_53 = arith.constant 0 : i32
        %dma_start3A_54 = tpu.memref_slice %arg4[%squeeze3A, %dma_start3A_53] : memref<1000000x16xf32, #tpu.memory_space<hbm>> -> memref<1x16xf32, #tpu.memory_space<hbm>>
        %dma_start3A_55 = tpu.memref_squeeze %dma_start3A_54 : memref<1x16xf32, #tpu.memory_space<hbm>> -> memref<16xf32, #tpu.memory_space<hbm>>
        %dma_start3A_56 = arith.constant 0 : i32
        %dma_start3A_57 = tpu.memref_slice %arg10[%add3A_50, %dma_start3A_56] : memref<128x16xf32, #tpu.memory_space<vmem>> -> memref<1x16xf32, #tpu.memory_space<vmem>>
        %dma_start3A_58 = tpu.memref_squeeze %dma_start3A_57 : memref<1x16xf32, #tpu.memory_space<vmem>> -> memref<16xf32, #tpu.memory_space<vmem>>
        %dma_start3A_59 = arith.constant 0 : i32
        %dma_start3A_60 = tpu.memref_slice %arg4[%squeeze3A, %dma_start3A_59] : memref<1000000x16xf32, #tpu.memory_space<hbm>> -> memref<1x16xf32, #tpu.memory_space<hbm>>
        %dma_start3A_61 = tpu.memref_squeeze %dma_start3A_60 : memref<1x16xf32, #tpu.memory_space<hbm>> -> memref<16xf32, #tpu.memory_space<hbm>>
        tpu.enqueue_dma source(%dma_start3A_61 : memref<16xf32, #tpu.memory_space<hbm>>) target(%dma_start3A_58 : memref<16xf32, #tpu.memory_space<vmem>>) target_semaphore(%arg12 : memref<!tpu.dma_semaphore, #tpu.memory_space<semaphore_mem>>)
        %dma_start3A_62 = arith.constant 0 : i32
        %dma_start3A_63 = tpu.memref_slice %arg11[%add3A_50, %dma_start3A_62] : memref<128x16xf32, #tpu.memory_space<vmem>> -> memref<1x16xf32, #tpu.memory_space<vmem>>
        %dma_start3A_64 = tpu.memref_squeeze %dma_start3A_63 : memref<1x16xf32, #tpu.memory_space<vmem>> -> memref<16xf32, #tpu.memory_space<vmem>>
        %dma_start3A_65 = arith.constant 0 : i32
        %dma_start3A_66 = tpu.memref_slice %arg5[%squeeze3A_46, %dma_start3A_65] : memref<1000000x16xf32, #tpu.memory_space<hbm>> -> memref<1x16xf32, #tpu.memory_space<hbm>>
        %dma_start3A_67 = tpu.memref_squeeze %dma_start3A_66 : memref<1x16xf32, #tpu.memory_space<hbm>> -> memref<16xf32, #tpu.memory_space<hbm>>
        %dma_start3A_68 = arith.constant 0 : i32
        %dma_start3A_69 = tpu.memref_slice %arg11[%add3A_50, %dma_start3A_68] : memref<128x16xf32, #tpu.memory_space<vmem>> -> memref<1x16xf32, #tpu.memory_space<vmem>>
        %dma_start3A_70 = tpu.memref_squeeze %dma_start3A_69 : memref<1x16xf32, #tpu.memory_space<vmem>> -> memref<16xf32, #tpu.memory_space<vmem>>
        %dma_start3A_71 = arith.constant 0 : i32
        %dma_start3A_72 = tpu.memref_slice %arg5[%squeeze3A_46, %dma_start3A_71] : memref<1000000x16xf32, #tpu.memory_space<hbm>> -> memref<1x16xf32, #tpu.memory_space<hbm>>
        %dma_start3A_73 = tpu.memref_squeeze %dma_start3A_72 : memref<1x16xf32, #tpu.memory_space<hbm>> -> memref<16xf32, #tpu.memory_space<hbm>>
        tpu.enqueue_dma source(%dma_start3A_73 : memref<16xf32, #tpu.memory_space<hbm>>) target(%dma_start3A_70 : memref<16xf32, #tpu.memory_space<vmem>>) target_semaphore(%arg12 : memref<!tpu.dma_semaphore, #tpu.memory_space<semaphore_mem>>)
        %slice3A_74 = vector.extract_strided_slice %get3A_36 {offsets = [1], sizes = [1], strides = [1]} : vector<16xi32> to vector<1xi32>
        %squeeze3A_75 = vector.extract %slice3A_74[0] : i32 from vector<1xi32>
        %slice3A_76 = vector.extract_strided_slice %get3A_44 {offsets = [1], sizes = [1], strides = [1]} : vector<16xi32> to vector<1xi32>
        %squeeze3A_77 = vector.extract %slice3A_76[0] : i32 from vector<1xi32>
        %mul3A_78 = arith.constant 16 : i32
        %mul3A_79 = arith.muli %scan3A_29, %mul3A_78 : i32
        %add3A_80 = arith.constant 1 : i32
        %add3A_81 = arith.addi %mul3A_79, %add3A_80 : i32
        %dma_start3A_82 = arith.constant 0 : i32
        %dma_start3A_83 = tpu.memref_slice %arg10[%add3A_81, %dma_start3A_82] : memref<128x16xf32, #tpu.memory_space<vmem>> -> memref<1x16xf32, #tpu.memory_space<vmem>>
        %dma_start3A_84 = tpu.memref_squeeze %dma_start3A_83 : memref<1x16xf32, #tpu.memory_space<vmem>> -> memref<16xf32, #tpu.memory_space<vmem>>
        %dma_start3A_85 = arith.constant 0 : i32
        %dma_start3A_86 = tpu.memref_slice %arg4[%squeeze3A_75, %dma_start3A_85] : memref<1000000x16xf32, #tpu.memory_space<hbm>> -> memref<1x16xf32, #tpu.memory_space<hbm>>
        %dma_start3A_87 = tpu.memref_squeeze %dma_start3A_86 : memref<1x16xf32, #tpu.memory_space<hbm>> -> memref<16xf32, #tpu.memory_space<hbm>>
        %dma_start3A_88 = arith.constant 0 : i32
        %dma_start3A_89 = tpu.memref_slice %arg10[%add3A_81, %dma_start3A_88] : memref<128x16xf32, #tpu.memory_space<vmem>> -> memref<1x16xf32, #tpu.memory_space<vmem>>
        %dma_start3A_90 = tpu.memref_squeeze %dma_start3A_89 : memref<1x16xf32, #tpu.memory_space<vmem>> -> memref<16xf32, #tpu.memory_space<vmem>>
        %dma_start3A_91 = arith.constant 0 : i32
        %dma_start3A_92 = tpu.memref_slice %arg4[%squeeze3A_75, %dma_start3A_91] : memref<1000000x16xf32, #tpu.memory_space<hbm>> -> memref<1x16xf32, #tpu.memory_space<hbm>>
        %dma_start3A_93 = tpu.memref_squeeze %dma_start3A_92 : memref<1x16xf32, #tpu.memory_space<hbm>> -> memref<16xf32, #tpu.memory_space<hbm>>
        tpu.enqueue_dma source(%dma_start3A_93 : memref<16xf32, #tpu.memory_space<hbm>>) target(%dma_start3A_90 : memref<16xf32, #tpu.memory_space<vmem>>) target_semaphore(%arg12 : memref<!tpu.dma_semaphore, #tpu.memory_space<semaphore_mem>>)
        %dma_start3A_94 = arith.constant 0 : i32
        %dma_start3A_95 = tpu.memref_slice %arg11[%add3A_81, %dma_start3A_94] : memref<128x16xf32, #tpu.memory_space<vmem>> -> memref<1x16xf32, #tpu.memory_space<vmem>>
        %dma_start3A_96 = tpu.memref_squeeze %dma_start3A_95 : memref<1x16xf32, #tpu.memory_space<vmem>> -> memref<16xf32, #tpu.memory_space<vmem>>
        %dma_start3A_97 = arith.constant 0 : i32
        %dma_start3A_98 = tpu.memref_slice %arg5[%squeeze3A_77, %dma_start3A_97] : memref<1000000x16xf32, #tpu.memory_space<hbm>> -> memref<1x16xf32, #tpu.memory_space<hbm>>
        %dma_start3A_99 = tpu.memref_squeeze %dma_start3A_98 : memref<1x16xf32, #tpu.memory_space<hbm>> -> memref<16xf32, #tpu.memory_space<hbm>>
        %dma_start3A_100 = arith.constant 0 : i32
        %dma_start3A_101 = tpu.memref_slice %arg11[%add3A_81, %dma_start3A_100] : memref<128x16xf32, #tpu.memory_space<vmem>> -> memref<1x16xf32, #tpu.memory_space<vmem>>
        %dma_start3A_102 = tpu.memref_squeeze %dma_start3A_101 : memref<1x16xf32, #tpu.memory_space<vmem>> -> memref<16xf32, #tpu.memory_space<vmem>>
        %dma_start3A_103 = arith.constant 0 : i32
        %dma_start3A_104 = tpu.memref_slice %arg5[%squeeze3A_77, %dma_start3A_103] : memref<1000000x16xf32, #tpu.memory_space<hbm>> -> memref<1x16xf32, #tpu.memory_space<hbm>>
        %dma_start3A_105 = tpu.memref_squeeze %dma_start3A_104 : memref<1x16xf32, #tpu.memory_space<hbm>> -> memref<16xf32, #tpu.memory_space<hbm>>
        tpu.enqueue_dma source(%dma_start3A_105 : memref<16xf32, #tpu.memory_space<hbm>>) target(%dma_start3A_102 : memref<16xf32, #tpu.memory_space<vmem>>) target_semaphore(%arg12 : memref<!tpu.dma_semaphore, #tpu.memory_space<semaphore_mem>>)
        %slice3A_106 = vector.extract_strided_slice %get3A_36 {offsets = [2], sizes = [1], strides = [1]} : vector<16xi32> to vector<1xi32>
        %squeeze3A_107 = vector.extract %slice3A_106[0] : i32 from vector<1xi32>
        %slice3A_108 = vector.extract_strided_slice %get3A_44 {offsets = [2], sizes = [1], strides = [1]} : vector<16xi32> to vector<1xi32>
        %squeeze3A_109 = vector.extract %slice3A_108[0] : i32 from vector<1xi32>
        %mul3A_110 = arith.constant 16 : i32
        %mul3A_111 = arith.muli %scan3A_29, %mul3A_110 : i32
        %add3A_112 = arith.constant 2 : i32
        %add3A_113 = arith.addi %mul3A_111, %add3A_112 : i32
        %dma_start3A_114 = arith.constant 0 : i32
        %dma_start3A_115 = tpu.memref_slice %arg10[%add3A_113, %dma_start3A_114] : memref<128x16xf32, #tpu.memory_space<vmem>> -> memref<1x16xf32, #tpu.memory_space<vmem>>
        %dma_start3A_116 = tpu.memref_squeeze %dma_start3A_115 : memref<1x16xf32, #tpu.memory_space<vmem>> -> memref<16xf32, #tpu.memory_space<vmem>>
        %dma_start3A_117 = arith.constant 0 : i32
        %dma_start3A_118 = tpu.memref_slice %arg4[%squeeze3A_107, %dma_start3A_117] : memref<1000000x16xf32, #tpu.memory_space<hbm>> -> memref<1x16xf32, #tpu.memory_space<hbm>>
        %dma_start3A_119 = tpu.memref_squeeze %dma_start3A_118 : memref<1x16xf32, #tpu.memory_space<hbm>> -> memref<16xf32, #tpu.memory_space<hbm>>
        %dma_start3A_120 = arith.constant 0 : i32
        %dma_start3A_121 = tpu.memref_slice %arg10[%add3A_113, %dma_start3A_120] : memref<128x16xf32, #tpu.memory_space<vmem>> -> memref<1x16xf32, #tpu.memory_space<vmem>>
        %dma_start3A_122 = tpu.memref_squeeze %dma_start3A_121 : memref<1x16xf32, #tpu.memory_space<vmem>> -> memref<16xf32, #tpu.memory_space<vmem>>
        %dma_start3A_123 = arith.constant 0 : i32
        %dma_start3A_124 = tpu.memref_slice %arg4[%squeeze3A_107, %dma_start3A_123] : memref<1000000x16xf32, #tpu.memory_space<hbm>> -> memref<1x16xf32, #tpu.memory_space<hbm>>
        %dma_start3A_125 = tpu.memref_squeeze %dma_start3A_124 : memref<1x16xf32, #tpu.memory_space<hbm>> -> memref<16xf32, #tpu.memory_space<hbm>>
        tpu.enqueue_dma source(%dma_start3A_125 : memref<16xf32, #tpu.memory_space<hbm>>) target(%dma_start3A_122 : memref<16xf32, #tpu.memory_space<vmem>>) target_semaphore(%arg12 : memref<!tpu.dma_semaphore, #tpu.memory_space<semaphore_mem>>)
        %dma_start3A_126 = arith.constant 0 : i32
        %dma_start3A_127 = tpu.memref_slice %arg11[%add3A_113, %dma_start3A_126] : memref<128x16xf32, #tpu.memory_space<vmem>> -> memref<1x16xf32, #tpu.memory_space<vmem>>
        %dma_start3A_128 = tpu.memref_squeeze %dma_start3A_127 : memref<1x16xf32, #tpu.memory_space<vmem>> -> memref<16xf32, #tpu.memory_space<vmem>>
        %dma_start3A_129 = arith.constant 0 : i32
        %dma_start3A_130 = tpu.memref_slice %arg5[%squeeze3A_109, %dma_start3A_129] : memref<1000000x16xf32, #tpu.memory_space<hbm>> -> memref<1x16xf32, #tpu.memory_space<hbm>>
        %dma_start3A_131 = tpu.memref_squeeze %dma_start3A_130 : memref<1x16xf32, #tpu.memory_space<hbm>> -> memref<16xf32, #tpu.memory_space<hbm>>
        %dma_start3A_132 = arith.constant 0 : i32
        %dma_start3A_133 = tpu.memref_slice %arg11[%add3A_113, %dma_start3A_132] : memref<128x16xf32, #tpu.memory_space<vmem>> -> memref<1x16xf32, #tpu.memory_space<vmem>>
        %dma_start3A_134 = tpu.memref_squeeze %dma_start3A_133 : memref<1x16xf32, #tpu.memory_space<vmem>> -> memref<16xf32, #tpu.memory_space<vmem>>
        %dma_start3A_135 = arith.constant 0 : i32
        %dma_start3A_136 = tpu.memref_slice %arg5[%squeeze3A_109, %dma_start3A_135] : memref<1000000x16xf32, #tpu.memory_space<hbm>> -> memref<1x16xf32, #tpu.memory_space<hbm>>
        %dma_start3A_137 = tpu.memref_squeeze %dma_start3A_136 : memref<1x16xf32, #tpu.memory_space<hbm>> -> memref<16xf32, #tpu.memory_space<hbm>>
        tpu.enqueue_dma source(%dma_start3A_137 : memref<16xf32, #tpu.memory_space<hbm>>) target(%dma_start3A_134 : memref<16xf32, #tpu.memory_space<vmem>>) target_semaphore(%arg12 : memref<!tpu.dma_semaphore, #tpu.memory_space<semaphore_mem>>)
        %slice3A_138 = vector.extract_strided_slice %get3A_36 {offsets = [3], sizes = [1], strides = [1]} : vector<16xi32> to vector<1xi32>
        %squeeze3A_139 = vector.extract %slice3A_138[0] : i32 from vector<1xi32>
        %slice3A_140 = vector.extract_strided_slice %get3A_44 {offsets = [3], sizes = [1], strides = [1]} : vector<16xi32> to vector<1xi32>
        %squeeze3A_141 = vector.extract %slice3A_140[0] : i32 from vector<1xi32>
        %mul3A_142 = arith.constant 16 : i32
        %mul3A_143 = arith.muli %scan3A_29, %mul3A_142 : i32
        %add3A_144 = arith.constant 3 : i32
        %add3A_145 = arith.addi %mul3A_143, %add3A_144 : i32
        %dma_start3A_146 = arith.constant 0 : i32
        %dma_start3A_147 = tpu.memref_slice %arg10[%add3A_145, %dma_start3A_146] : memref<128x16xf32, #tpu.memory_space<vmem>> -> memref<1x16xf32, #tpu.memory_space<vmem>>
        %dma_start3A_148 = tpu.memref_squeeze %dma_start3A_147 : memref<1x16xf32, #tpu.memory_space<vmem>> -> memref<16xf32, #tpu.memory_space<vmem>>
        %dma_start3A_149 = arith.constant 0 : i32
        %dma_start3A_150 = tpu.memref_slice %arg4[%squeeze3A_139, %dma_start3A_149] : memref<1000000x16xf32, #tpu.memory_space<hbm>> -> memref<1x16xf32, #tpu.memory_space<hbm>>
        %dma_start3A_151 = tpu.memref_squeeze %dma_start3A_150 : memref<1x16xf32, #tpu.memory_space<hbm>> -> memref<16xf32, #tpu.memory_space<hbm>>
        %dma_start3A_152 = arith.constant 0 : i32
        %dma_start3A_153 = tpu.memref_slice %arg10[%add3A_145, %dma_start3A_152] : memref<128x16xf32, #tpu.memory_space<vmem>> -> memref<1x16xf32, #tpu.memory_space<vmem>>
        %dma_start3A_154 = tpu.memref_squeeze %dma_start3A_153 : memref<1x16xf32, #tpu.memory_space<vmem>> -> memref<16xf32, #tpu.memory_space<vmem>>
        %dma_start3A_155 = arith.constant 0 : i32
        %dma_start3A_156 = tpu.memref_slice %arg4[%squeeze3A_139, %dma_start3A_155] : memref<1000000x16xf32, #tpu.memory_space<hbm>> -> memref<1x16xf32, #tpu.memory_space<hbm>>
        %dma_start3A_157 = tpu.memref_squeeze %dma_start3A_156 : memref<1x16xf32, #tpu.memory_space<hbm>> -> memref<16xf32, #tpu.memory_space<hbm>>
        tpu.enqueue_dma source(%dma_start3A_157 : memref<16xf32, #tpu.memory_space<hbm>>) target(%dma_start3A_154 : memref<16xf32, #tpu.memory_space<vmem>>) target_semaphore(%arg12 : memref<!tpu.dma_semaphore, #tpu.memory_space<semaphore_mem>>)
        %dma_start3A_158 = arith.constant 0 : i32
        %dma_start3A_159 = tpu.memref_slice %arg11[%add3A_145, %dma_start3A_158] : memref<128x16xf32, #tpu.memory_space<vmem>> -> memref<1x16xf32, #tpu.memory_space<vmem>>
        %dma_start3A_160 = tpu.memref_squeeze %dma_start3A_159 : memref<1x16xf32, #tpu.memory_space<vmem>> -> memref<16xf32, #tpu.memory_space<vmem>>
        %dma_start3A_161 = arith.constant 0 : i32
        %dma_start3A_162 = tpu.memref_slice %arg5[%squeeze3A_141, %dma_start3A_161] : memref<1000000x16xf32, #tpu.memory_space<hbm>> -> memref<1x16xf32, #tpu.memory_space<hbm>>
        %dma_start3A_163 = tpu.memref_squeeze %dma_start3A_162 : memref<1x16xf32, #tpu.memory_space<hbm>> -> memref<16xf32, #tpu.memory_space<hbm>>
        %dma_start3A_164 = arith.constant 0 : i32
        %dma_start3A_165 = tpu.memref_slice %arg11[%add3A_145, %dma_start3A_164] : memref<128x16xf32, #tpu.memory_space<vmem>> -> memref<1x16xf32, #tpu.memory_space<vmem>>
        %dma_start3A_166 = tpu.memref_squeeze %dma_start3A_165 : memref<1x16xf32, #tpu.memory_space<vmem>> -> memref<16xf32, #tpu.memory_space<vmem>>
        %dma_start3A_167 = arith.constant 0 : i32
        %dma_start3A_168 = tpu.memref_slice %arg5[%squeeze3A_141, %dma_start3A_167] : memref<1000000x16xf32, #tpu.memory_space<hbm>> -> memref<1x16xf32, #tpu.memory_space<hbm>>
        %dma_start3A_169 = tpu.memref_squeeze %dma_start3A_168 : memref<1x16xf32, #tpu.memory_space<hbm>> -> memref<16xf32, #tpu.memory_space<hbm>>
        tpu.enqueue_dma source(%dma_start3A_169 : memref<16xf32, #tpu.memory_space<hbm>>) target(%dma_start3A_166 : memref<16xf32, #tpu.memory_space<vmem>>) target_semaphore(%arg12 : memref<!tpu.dma_semaphore, #tpu.memory_space<semaphore_mem>>)
        %slice3A_170 = vector.extract_strided_slice %get3A_36 {offsets = [4], sizes = [1], strides = [1]} : vector<16xi32> to vector<1xi32>
        %squeeze3A_171 = vector.extract %slice3A_170[0] : i32 from vector<1xi32>
        %slice3A_172 = vector.extract_strided_slice %get3A_44 {offsets = [4], sizes = [1], strides = [1]} : vector<16xi32> to vector<1xi32>
        %squeeze3A_173 = vector.extract %slice3A_172[0] : i32 from vector<1xi32>
        %mul3A_174 = arith.constant 16 : i32
        %mul3A_175 = arith.muli %scan3A_29, %mul3A_174 : i32
        %add3A_176 = arith.constant 4 : i32
        %add3A_177 = arith.addi %mul3A_175, %add3A_176 : i32
        %dma_start3A_178 = arith.constant 0 : i32
        %dma_start3A_179 = tpu.memref_slice %arg10[%add3A_177, %dma_start3A_178] : memref<128x16xf32, #tpu.memory_space<vmem>> -> memref<1x16xf32, #tpu.memory_space<vmem>>
        %dma_start3A_180 = tpu.memref_squeeze %dma_start3A_179 : memref<1x16xf32, #tpu.memory_space<vmem>> -> memref<16xf32, #tpu.memory_space<vmem>>
        %dma_start3A_181 = arith.constant 0 : i32
        %dma_start3A_182 = tpu.memref_slice %arg4[%squeeze3A_171, %dma_start3A_181] : memref<1000000x16xf32, #tpu.memory_space<hbm>> -> memref<1x16xf32, #tpu.memory_space<hbm>>
        %dma_start3A_183 = tpu.memref_squeeze %dma_start3A_182 : memref<1x16xf32, #tpu.memory_space<hbm>> -> memref<16xf32, #tpu.memory_space<hbm>>
        %dma_start3A_184 = arith.constant 0 : i32
        %dma_start3A_185 = tpu.memref_slice %arg10[%add3A_177, %dma_start3A_184] : memref<128x16xf32, #tpu.memory_space<vmem>> -> memref<1x16xf32, #tpu.memory_space<vmem>>
        %dma_start3A_186 = tpu.memref_squeeze %dma_start3A_185 : memref<1x16xf32, #tpu.memory_space<vmem>> -> memref<16xf32, #tpu.memory_space<vmem>>
        %dma_start3A_187 = arith.constant 0 : i32
        %dma_start3A_188 = tpu.memref_slice %arg4[%squeeze3A_171, %dma_start3A_187] : memref<1000000x16xf32, #tpu.memory_space<hbm>> -> memref<1x16xf32, #tpu.memory_space<hbm>>
        %dma_start3A_189 = tpu.memref_squeeze %dma_start3A_188 : memref<1x16xf32, #tpu.memory_space<hbm>> -> memref<16xf32, #tpu.memory_space<hbm>>
        tpu.enqueue_dma source(%dma_start3A_189 : memref<16xf32, #tpu.memory_space<hbm>>) target(%dma_start3A_186 : memref<16xf32, #tpu.memory_space<vmem>>) target_semaphore(%arg12 : memref<!tpu.dma_semaphore, #tpu.memory_space<semaphore_mem>>)
        %dma_start3A_190 = arith.constant 0 : i32
        %dma_start3A_191 = tpu.memref_slice %arg11[%add3A_177, %dma_start3A_190] : memref<128x16xf32, #tpu.memory_space<vmem>> -> memref<1x16xf32, #tpu.memory_space<vmem>>
        %dma_start3A_192 = tpu.memref_squeeze %dma_start3A_191 : memref<1x16xf32, #tpu.memory_space<vmem>> -> memref<16xf32, #tpu.memory_space<vmem>>
        %dma_start3A_193 = arith.constant 0 : i32
        %dma_start3A_194 = tpu.memref_slice %arg5[%squeeze3A_173, %dma_start3A_193] : memref<1000000x16xf32, #tpu.memory_space<hbm>> -> memref<1x16xf32, #tpu.memory_space<hbm>>
        %dma_start3A_195 = tpu.memref_squeeze %dma_start3A_194 : memref<1x16xf32, #tpu.memory_space<hbm>> -> memref<16xf32, #tpu.memory_space<hbm>>
        %dma_start3A_196 = arith.constant 0 : i32
        %dma_start3A_197 = tpu.memref_slice %arg11[%add3A_177, %dma_start3A_196] : memref<128x16xf32, #tpu.memory_space<vmem>> -> memref<1x16xf32, #tpu.memory_space<vmem>>
        %dma_start3A_198 = tpu.memref_squeeze %dma_start3A_197 : memref<1x16xf32, #tpu.memory_space<vmem>> -> memref<16xf32, #tpu.memory_space<vmem>>
        %dma_start3A_199 = arith.constant 0 : i32
        %dma_start3A_200 = tpu.memref_slice %arg5[%squeeze3A_173, %dma_start3A_199] : memref<1000000x16xf32, #tpu.memory_space<hbm>> -> memref<1x16xf32, #tpu.memory_space<hbm>>
        %dma_start3A_201 = tpu.memref_squeeze %dma_start3A_200 : memref<1x16xf32, #tpu.memory_space<hbm>> -> memref<16xf32, #tpu.memory_space<hbm>>
        tpu.enqueue_dma source(%dma_start3A_201 : memref<16xf32, #tpu.memory_space<hbm>>) target(%dma_start3A_198 : memref<16xf32, #tpu.memory_space<vmem>>) target_semaphore(%arg12 : memref<!tpu.dma_semaphore, #tpu.memory_space<semaphore_mem>>)
        %slice3A_202 = vector.extract_strided_slice %get3A_36 {offsets = [5], sizes = [1], strides = [1]} : vector<16xi32> to vector<1xi32>
        %squeeze3A_203 = vector.extract %slice3A_202[0] : i32 from vector<1xi32>
        %slice3A_204 = vector.extract_strided_slice %get3A_44 {offsets = [5], sizes = [1], strides = [1]} : vector<16xi32> to vector<1xi32>
        %squeeze3A_205 = vector.extract %slice3A_204[0] : i32 from vector<1xi32>
        %mul3A_206 = arith.constant 16 : i32
        %mul3A_207 = arith.muli %scan3A_29, %mul3A_206 : i32
        %add3A_208 = arith.constant 5 : i32
        %add3A_209 = arith.addi %mul3A_207, %add3A_208 : i32
        %dma_start3A_210 = arith.constant 0 : i32
        %dma_start3A_211 = tpu.memref_slice %arg10[%add3A_209, %dma_start3A_210] : memref<128x16xf32, #tpu.memory_space<vmem>> -> memref<1x16xf32, #tpu.memory_space<vmem>>
        %dma_start3A_212 = tpu.memref_squeeze %dma_start3A_211 : memref<1x16xf32, #tpu.memory_space<vmem>> -> memref<16xf32, #tpu.memory_space<vmem>>
        %dma_start3A_213 = arith.constant 0 : i32
        %dma_start3A_214 = tpu.memref_slice %arg4[%squeeze3A_203, %dma_start3A_213] : memref<1000000x16xf32, #tpu.memory_space<hbm>> -> memref<1x16xf32, #tpu.memory_space<hbm>>
        %dma_start3A_215 = tpu.memref_squeeze %dma_start3A_214 : memref<1x16xf32, #tpu.memory_space<hbm>> -> memref<16xf32, #tpu.memory_space<hbm>>
        %dma_start3A_216 = arith.constant 0 : i32
        %dma_start3A_217 = tpu.memref_slice %arg10[%add3A_209, %dma_start3A_216] : memref<128x16xf32, #tpu.memory_space<vmem>> -> memref<1x16xf32, #tpu.memory_space<vmem>>
        %dma_start3A_218 = tpu.memref_squeeze %dma_start3A_217 : memref<1x16xf32, #tpu.memory_space<vmem>> -> memref<16xf32, #tpu.memory_space<vmem>>
        %dma_start3A_219 = arith.constant 0 : i32
        %dma_start3A_220 = tpu.memref_slice %arg4[%squeeze3A_203, %dma_start3A_219] : memref<1000000x16xf32, #tpu.memory_space<hbm>> -> memref<1x16xf32, #tpu.memory_space<hbm>>
        %dma_start3A_221 = tpu.memref_squeeze %dma_start3A_220 : memref<1x16xf32, #tpu.memory_space<hbm>> -> memref<16xf32, #tpu.memory_space<hbm>>
        tpu.enqueue_dma source(%dma_start3A_221 : memref<16xf32, #tpu.memory_space<hbm>>) target(%dma_start3A_218 : memref<16xf32, #tpu.memory_space<vmem>>) target_semaphore(%arg12 : memref<!tpu.dma_semaphore, #tpu.memory_space<semaphore_mem>>)
        %dma_start3A_222 = arith.constant 0 : i32
        %dma_start3A_223 = tpu.memref_slice %arg11[%add3A_209, %dma_start3A_222] : memref<128x16xf32, #tpu.memory_space<vmem>> -> memref<1x16xf32, #tpu.memory_space<vmem>>
        %dma_start3A_224 = tpu.memref_squeeze %dma_start3A_223 : memref<1x16xf32, #tpu.memory_space<vmem>> -> memref<16xf32, #tpu.memory_space<vmem>>
        %dma_start3A_225 = arith.constant 0 : i32
        %dma_start3A_226 = tpu.memref_slice %arg5[%squeeze3A_205, %dma_start3A_225] : memref<1000000x16xf32, #tpu.memory_space<hbm>> -> memref<1x16xf32, #tpu.memory_space<hbm>>
        %dma_start3A_227 = tpu.memref_squeeze %dma_start3A_226 : memref<1x16xf32, #tpu.memory_space<hbm>> -> memref<16xf32, #tpu.memory_space<hbm>>
        %dma_start3A_228 = arith.constant 0 : i32
        %dma_start3A_229 = tpu.memref_slice %arg11[%add3A_209, %dma_start3A_228] : memref<128x16xf32, #tpu.memory_space<vmem>> -> memref<1x16xf32, #tpu.memory_space<vmem>>
        %dma_start3A_230 = tpu.memref_squeeze %dma_start3A_229 : memref<1x16xf32, #tpu.memory_space<vmem>> -> memref<16xf32, #tpu.memory_space<vmem>>
        %dma_start3A_231 = arith.constant 0 : i32
        %dma_start3A_232 = tpu.memref_slice %arg5[%squeeze3A_205, %dma_start3A_231] : memref<1000000x16xf32, #tpu.memory_space<hbm>> -> memref<1x16xf32, #tpu.memory_space<hbm>>
        %dma_start3A_233 = tpu.memref_squeeze %dma_start3A_232 : memref<1x16xf32, #tpu.memory_space<hbm>> -> memref<16xf32, #tpu.memory_space<hbm>>
        tpu.enqueue_dma source(%dma_start3A_233 : memref<16xf32, #tpu.memory_space<hbm>>) target(%dma_start3A_230 : memref<16xf32, #tpu.memory_space<vmem>>) target_semaphore(%arg12 : memref<!tpu.dma_semaphore, #tpu.memory_space<semaphore_mem>>)
        %slice3A_234 = vector.extract_strided_slice %get3A_36 {offsets = [6], sizes = [1], strides = [1]} : vector<16xi32> to vector<1xi32>
        %squeeze3A_235 = vector.extract %slice3A_234[0] : i32 from vector<1xi32>
        %slice3A_236 = vector.extract_strided_slice %get3A_44 {offsets = [6], sizes = [1], strides = [1]} : vector<16xi32> to vector<1xi32>
        %squeeze3A_237 = vector.extract %slice3A_236[0] : i32 from vector<1xi32>
        %mul3A_238 = arith.constant 16 : i32
        %mul3A_239 = arith.muli %scan3A_29, %mul3A_238 : i32
        %add3A_240 = arith.constant 6 : i32
        %add3A_241 = arith.addi %mul3A_239, %add3A_240 : i32
        %dma_start3A_242 = arith.constant 0 : i32
        %dma_start3A_243 = tpu.memref_slice %arg10[%add3A_241, %dma_start3A_242] : memref<128x16xf32, #tpu.memory_space<vmem>> -> memref<1x16xf32, #tpu.memory_space<vmem>>
        %dma_start3A_244 = tpu.memref_squeeze %dma_start3A_243 : memref<1x16xf32, #tpu.memory_space<vmem>> -> memref<16xf32, #tpu.memory_space<vmem>>
        %dma_start3A_245 = arith.constant 0 : i32
        %dma_start3A_246 = tpu.memref_slice %arg4[%squeeze3A_235, %dma_start3A_245] : memref<1000000x16xf32, #tpu.memory_space<hbm>> -> memref<1x16xf32, #tpu.memory_space<hbm>>
        %dma_start3A_247 = tpu.memref_squeeze %dma_start3A_246 : memref<1x16xf32, #tpu.memory_space<hbm>> -> memref<16xf32, #tpu.memory_space<hbm>>
        %dma_start3A_248 = arith.constant 0 : i32
        %dma_start3A_249 = tpu.memref_slice %arg10[%add3A_241, %dma_start3A_248] : memref<128x16xf32, #tpu.memory_space<vmem>> -> memref<1x16xf32, #tpu.memory_space<vmem>>
        %dma_start3A_250 = tpu.memref_squeeze %dma_start3A_249 : memref<1x16xf32, #tpu.memory_space<vmem>> -> memref<16xf32, #tpu.memory_space<vmem>>
        %dma_start3A_251 = arith.constant 0 : i32
        %dma_start3A_252 = tpu.memref_slice %arg4[%squeeze3A_235, %dma_start3A_251] : memref<1000000x16xf32, #tpu.memory_space<hbm>> -> memref<1x16xf32, #tpu.memory_space<hbm>>
        %dma_start3A_253 = tpu.memref_squeeze %dma_start3A_252 : memref<1x16xf32, #tpu.memory_space<hbm>> -> memref<16xf32, #tpu.memory_space<hbm>>
        tpu.enqueue_dma source(%dma_start3A_253 : memref<16xf32, #tpu.memory_space<hbm>>) target(%dma_start3A_250 : memref<16xf32, #tpu.memory_space<vmem>>) target_semaphore(%arg12 : memref<!tpu.dma_semaphore, #tpu.memory_space<semaphore_mem>>)
        %dma_start3A_254 = arith.constant 0 : i32
        %dma_start3A_255 = tpu.memref_slice %arg11[%add3A_241, %dma_start3A_254] : memref<128x16xf32, #tpu.memory_space<vmem>> -> memref<1x16xf32, #tpu.memory_space<vmem>>
        %dma_start3A_256 = tpu.memref_squeeze %dma_start3A_255 : memref<1x16xf32, #tpu.memory_space<vmem>> -> memref<16xf32, #tpu.memory_space<vmem>>
        %dma_start3A_257 = arith.constant 0 : i32
        %dma_start3A_258 = tpu.memref_slice %arg5[%squeeze3A_237, %dma_start3A_257] : memref<1000000x16xf32, #tpu.memory_space<hbm>> -> memref<1x16xf32, #tpu.memory_space<hbm>>
        %dma_start3A_259 = tpu.memref_squeeze %dma_start3A_258 : memref<1x16xf32, #tpu.memory_space<hbm>> -> memref<16xf32, #tpu.memory_space<hbm>>
        %dma_start3A_260 = arith.constant 0 : i32
        %dma_start3A_261 = tpu.memref_slice %arg11[%add3A_241, %dma_start3A_260] : memref<128x16xf32, #tpu.memory_space<vmem>> -> memref<1x16xf32, #tpu.memory_space<vmem>>
        %dma_start3A_262 = tpu.memref_squeeze %dma_start3A_261 : memref<1x16xf32, #tpu.memory_space<vmem>> -> memref<16xf32, #tpu.memory_space<vmem>>
        %dma_start3A_263 = arith.constant 0 : i32
        %dma_start3A_264 = tpu.memref_slice %arg5[%squeeze3A_237, %dma_start3A_263] : memref<1000000x16xf32, #tpu.memory_space<hbm>> -> memref<1x16xf32, #tpu.memory_space<hbm>>
        %dma_start3A_265 = tpu.memref_squeeze %dma_start3A_264 : memref<1x16xf32, #tpu.memory_space<hbm>> -> memref<16xf32, #tpu.memory_space<hbm>>
        tpu.enqueue_dma source(%dma_start3A_265 : memref<16xf32, #tpu.memory_space<hbm>>) target(%dma_start3A_262 : memref<16xf32, #tpu.memory_space<vmem>>) target_semaphore(%arg12 : memref<!tpu.dma_semaphore, #tpu.memory_space<semaphore_mem>>)
        %slice3A_266 = vector.extract_strided_slice %get3A_36 {offsets = [7], sizes = [1], strides = [1]} : vector<16xi32> to vector<1xi32>
        %squeeze3A_267 = vector.extract %slice3A_266[0] : i32 from vector<1xi32>
        %slice3A_268 = vector.extract_strided_slice %get3A_44 {offsets = [7], sizes = [1], strides = [1]} : vector<16xi32> to vector<1xi32>
        %squeeze3A_269 = vector.extract %slice3A_268[0] : i32 from vector<1xi32>
        %mul3A_270 = arith.constant 16 : i32
        %mul3A_271 = arith.muli %scan3A_29, %mul3A_270 : i32
        %add3A_272 = arith.constant 7 : i32
        %add3A_273 = arith.addi %mul3A_271, %add3A_272 : i32
        %dma_start3A_274 = arith.constant 0 : i32
        %dma_start3A_275 = tpu.memref_slice %arg10[%add3A_273, %dma_start3A_274] : memref<128x16xf32, #tpu.memory_space<vmem>> -> memref<1x16xf32, #tpu.memory_space<vmem>>
        %dma_start3A_276 = tpu.memref_squeeze %dma_start3A_275 : memref<1x16xf32, #tpu.memory_space<vmem>> -> memref<16xf32, #tpu.memory_space<vmem>>
        %dma_start3A_277 = arith.constant 0 : i32
        %dma_start3A_278 = tpu.memref_slice %arg4[%squeeze3A_267, %dma_start3A_277] : memref<1000000x16xf32, #tpu.memory_space<hbm>> -> memref<1x16xf32, #tpu.memory_space<hbm>>
        %dma_start3A_279 = tpu.memref_squeeze %dma_start3A_278 : memref<1x16xf32, #tpu.memory_space<hbm>> -> memref<16xf32, #tpu.memory_space<hbm>>
        %dma_start3A_280 = arith.constant 0 : i32
        %dma_start3A_281 = tpu.memref_slice %arg10[%add3A_273, %dma_start3A_280] : memref<128x16xf32, #tpu.memory_space<vmem>> -> memref<1x16xf32, #tpu.memory_space<vmem>>
        %dma_start3A_282 = tpu.memref_squeeze %dma_start3A_281 : memref<1x16xf32, #tpu.memory_space<vmem>> -> memref<16xf32, #tpu.memory_space<vmem>>
        %dma_start3A_283 = arith.constant 0 : i32
        %dma_start3A_284 = tpu.memref_slice %arg4[%squeeze3A_267, %dma_start3A_283] : memref<1000000x16xf32, #tpu.memory_space<hbm>> -> memref<1x16xf32, #tpu.memory_space<hbm>>
        %dma_start3A_285 = tpu.memref_squeeze %dma_start3A_284 : memref<1x16xf32, #tpu.memory_space<hbm>> -> memref<16xf32, #tpu.memory_space<hbm>>
        tpu.enqueue_dma source(%dma_start3A_285 : memref<16xf32, #tpu.memory_space<hbm>>) target(%dma_start3A_282 : memref<16xf32, #tpu.memory_space<vmem>>) target_semaphore(%arg12 : memref<!tpu.dma_semaphore, #tpu.memory_space<semaphore_mem>>)
        %dma_start3A_286 = arith.constant 0 : i32
        %dma_start3A_287 = tpu.memref_slice %arg11[%add3A_273, %dma_start3A_286] : memref<128x16xf32, #tpu.memory_space<vmem>> -> memref<1x16xf32, #tpu.memory_space<vmem>>
        %dma_start3A_288 = tpu.memref_squeeze %dma_start3A_287 : memref<1x16xf32, #tpu.memory_space<vmem>> -> memref<16xf32, #tpu.memory_space<vmem>>
        %dma_start3A_289 = arith.constant 0 : i32
        %dma_start3A_290 = tpu.memref_slice %arg5[%squeeze3A_269, %dma_start3A_289] : memref<1000000x16xf32, #tpu.memory_space<hbm>> -> memref<1x16xf32, #tpu.memory_space<hbm>>
        %dma_start3A_291 = tpu.memref_squeeze %dma_start3A_290 : memref<1x16xf32, #tpu.memory_space<hbm>> -> memref<16xf32, #tpu.memory_space<hbm>>
        %dma_start3A_292 = arith.constant 0 : i32
        %dma_start3A_293 = tpu.memref_slice %arg11[%add3A_273, %dma_start3A_292] : memref<128x16xf32, #tpu.memory_space<vmem>> -> memref<1x16xf32, #tpu.memory_space<vmem>>
        %dma_start3A_294 = tpu.memref_squeeze %dma_start3A_293 : memref<1x16xf32, #tpu.memory_space<vmem>> -> memref<16xf32, #tpu.memory_space<vmem>>
        %dma_start3A_295 = arith.constant 0 : i32
        %dma_start3A_296 = tpu.memref_slice %arg5[%squeeze3A_269, %dma_start3A_295] : memref<1000000x16xf32, #tpu.memory_space<hbm>> -> memref<1x16xf32, #tpu.memory_space<hbm>>
        %dma_start3A_297 = tpu.memref_squeeze %dma_start3A_296 : memref<1x16xf32, #tpu.memory_space<hbm>> -> memref<16xf32, #tpu.memory_space<hbm>>
        tpu.enqueue_dma source(%dma_start3A_297 : memref<16xf32, #tpu.memory_space<hbm>>) target(%dma_start3A_294 : memref<16xf32, #tpu.memory_space<vmem>>) target_semaphore(%arg12 : memref<!tpu.dma_semaphore, #tpu.memory_space<semaphore_mem>>)
        %slice3A_298 = vector.extract_strided_slice %get3A_36 {offsets = [8], sizes = [1], strides = [1]} : vector<16xi32> to vector<1xi32>
        %squeeze3A_299 = vector.extract %slice3A_298[0] : i32 from vector<1xi32>
        %slice3A_300 = vector.extract_strided_slice %get3A_44 {offsets = [8], sizes = [1], strides = [1]} : vector<16xi32> to vector<1xi32>
        %squeeze3A_301 = vector.extract %slice3A_300[0] : i32 from vector<1xi32>
        %mul3A_302 = arith.constant 16 : i32
        %mul3A_303 = arith.muli %scan3A_29, %mul3A_302 : i32
        %add3A_304 = arith.constant 8 : i32
        %add3A_305 = arith.addi %mul3A_303, %add3A_304 : i32
        %dma_start3A_306 = arith.constant 0 : i32
        %dma_start3A_307 = tpu.memref_slice %arg10[%add3A_305, %dma_start3A_306] : memref<128x16xf32, #tpu.memory_space<vmem>> -> memref<1x16xf32, #tpu.memory_space<vmem>>
        %dma_start3A_308 = tpu.memref_squeeze %dma_start3A_307 : memref<1x16xf32, #tpu.memory_space<vmem>> -> memref<16xf32, #tpu.memory_space<vmem>>
        %dma_start3A_309 = arith.constant 0 : i32
        %dma_start3A_310 = tpu.memref_slice %arg4[%squeeze3A_299, %dma_start3A_309] : memref<1000000x16xf32, #tpu.memory_space<hbm>> -> memref<1x16xf32, #tpu.memory_space<hbm>>
        %dma_start3A_311 = tpu.memref_squeeze %dma_start3A_310 : memref<1x16xf32, #tpu.memory_space<hbm>> -> memref<16xf32, #tpu.memory_space<hbm>>
        %dma_start3A_312 = arith.constant 0 : i32
        %dma_start3A_313 = tpu.memref_slice %arg10[%add3A_305, %dma_start3A_312] : memref<128x16xf32, #tpu.memory_space<vmem>> -> memref<1x16xf32, #tpu.memory_space<vmem>>
        %dma_start3A_314 = tpu.memref_squeeze %dma_start3A_313 : memref<1x16xf32, #tpu.memory_space<vmem>> -> memref<16xf32, #tpu.memory_space<vmem>>
        %dma_start3A_315 = arith.constant 0 : i32
        %dma_start3A_316 = tpu.memref_slice %arg4[%squeeze3A_299, %dma_start3A_315] : memref<1000000x16xf32, #tpu.memory_space<hbm>> -> memref<1x16xf32, #tpu.memory_space<hbm>>
        %dma_start3A_317 = tpu.memref_squeeze %dma_start3A_316 : memref<1x16xf32, #tpu.memory_space<hbm>> -> memref<16xf32, #tpu.memory_space<hbm>>
        tpu.enqueue_dma source(%dma_start3A_317 : memref<16xf32, #tpu.memory_space<hbm>>) target(%dma_start3A_314 : memref<16xf32, #tpu.memory_space<vmem>>) target_semaphore(%arg12 : memref<!tpu.dma_semaphore, #tpu.memory_space<semaphore_mem>>)
        %dma_start3A_318 = arith.constant 0 : i32
        %dma_start3A_319 = tpu.memref_slice %arg11[%add3A_305, %dma_start3A_318] : memref<128x16xf32, #tpu.memory_space<vmem>> -> memref<1x16xf32, #tpu.memory_space<vmem>>
        %dma_start3A_320 = tpu.memref_squeeze %dma_start3A_319 : memref<1x16xf32, #tpu.memory_space<vmem>> -> memref<16xf32, #tpu.memory_space<vmem>>
        %dma_start3A_321 = arith.constant 0 : i32
        %dma_start3A_322 = tpu.memref_slice %arg5[%squeeze3A_301, %dma_start3A_321] : memref<1000000x16xf32, #tpu.memory_space<hbm>> -> memref<1x16xf32, #tpu.memory_space<hbm>>
        %dma_start3A_323 = tpu.memref_squeeze %dma_start3A_322 : memref<1x16xf32, #tpu.memory_space<hbm>> -> memref<16xf32, #tpu.memory_space<hbm>>
        %dma_start3A_324 = arith.constant 0 : i32
        %dma_start3A_325 = tpu.memref_slice %arg11[%add3A_305, %dma_start3A_324] : memref<128x16xf32, #tpu.memory_space<vmem>> -> memref<1x16xf32, #tpu.memory_space<vmem>>
        %dma_start3A_326 = tpu.memref_squeeze %dma_start3A_325 : memref<1x16xf32, #tpu.memory_space<vmem>> -> memref<16xf32, #tpu.memory_space<vmem>>
        %dma_start3A_327 = arith.constant 0 : i32
        %dma_start3A_328 = tpu.memref_slice %arg5[%squeeze3A_301, %dma_start3A_327] : memref<1000000x16xf32, #tpu.memory_space<hbm>> -> memref<1x16xf32, #tpu.memory_space<hbm>>
        %dma_start3A_329 = tpu.memref_squeeze %dma_start3A_328 : memref<1x16xf32, #tpu.memory_space<hbm>> -> memref<16xf32, #tpu.memory_space<hbm>>
        tpu.enqueue_dma source(%dma_start3A_329 : memref<16xf32, #tpu.memory_space<hbm>>) target(%dma_start3A_326 : memref<16xf32, #tpu.memory_space<vmem>>) target_semaphore(%arg12 : memref<!tpu.dma_semaphore, #tpu.memory_space<semaphore_mem>>)
        %slice3A_330 = vector.extract_strided_slice %get3A_36 {offsets = [9], sizes = [1], strides = [1]} : vector<16xi32> to vector<1xi32>
        %squeeze3A_331 = vector.extract %slice3A_330[0] : i32 from vector<1xi32>
        %slice3A_332 = vector.extract_strided_slice %get3A_44 {offsets = [9], sizes = [1], strides = [1]} : vector<16xi32> to vector<1xi32>
        %squeeze3A_333 = vector.extract %slice3A_332[0] : i32 from vector<1xi32>
        %mul3A_334 = arith.constant 16 : i32
        %mul3A_335 = arith.muli %scan3A_29, %mul3A_334 : i32
        %add3A_336 = arith.constant 9 : i32
        %add3A_337 = arith.addi %mul3A_335, %add3A_336 : i32
        %dma_start3A_338 = arith.constant 0 : i32
        %dma_start3A_339 = tpu.memref_slice %arg10[%add3A_337, %dma_start3A_338] : memref<128x16xf32, #tpu.memory_space<vmem>> -> memref<1x16xf32, #tpu.memory_space<vmem>>
        %dma_start3A_340 = tpu.memref_squeeze %dma_start3A_339 : memref<1x16xf32, #tpu.memory_space<vmem>> -> memref<16xf32, #tpu.memory_space<vmem>>
        %dma_start3A_341 = arith.constant 0 : i32
        %dma_start3A_342 = tpu.memref_slice %arg4[%squeeze3A_331, %dma_start3A_341] : memref<1000000x16xf32, #tpu.memory_space<hbm>> -> memref<1x16xf32, #tpu.memory_space<hbm>>
        %dma_start3A_343 = tpu.memref_squeeze %dma_start3A_342 : memref<1x16xf32, #tpu.memory_space<hbm>> -> memref<16xf32, #tpu.memory_space<hbm>>
        %dma_start3A_344 = arith.constant 0 : i32
        %dma_start3A_345 = tpu.memref_slice %arg10[%add3A_337, %dma_start3A_344] : memref<128x16xf32, #tpu.memory_space<vmem>> -> memref<1x16xf32, #tpu.memory_space<vmem>>
        %dma_start3A_346 = tpu.memref_squeeze %dma_start3A_345 : memref<1x16xf32, #tpu.memory_space<vmem>> -> memref<16xf32, #tpu.memory_space<vmem>>
        %dma_start3A_347 = arith.constant 0 : i32
        %dma_start3A_348 = tpu.memref_slice %arg4[%squeeze3A_331, %dma_start3A_347] : memref<1000000x16xf32, #tpu.memory_space<hbm>> -> memref<1x16xf32, #tpu.memory_space<hbm>>
        %dma_start3A_349 = tpu.memref_squeeze %dma_start3A_348 : memref<1x16xf32, #tpu.memory_space<hbm>> -> memref<16xf32, #tpu.memory_space<hbm>>
        tpu.enqueue_dma source(%dma_start3A_349 : memref<16xf32, #tpu.memory_space<hbm>>) target(%dma_start3A_346 : memref<16xf32, #tpu.memory_space<vmem>>) target_semaphore(%arg12 : memref<!tpu.dma_semaphore, #tpu.memory_space<semaphore_mem>>)
        %dma_start3A_350 = arith.constant 0 : i32
        %dma_start3A_351 = tpu.memref_slice %arg11[%add3A_337, %dma_start3A_350] : memref<128x16xf32, #tpu.memory_space<vmem>> -> memref<1x16xf32, #tpu.memory_space<vmem>>
        %dma_start3A_352 = tpu.memref_squeeze %dma_start3A_351 : memref<1x16xf32, #tpu.memory_space<vmem>> -> memref<16xf32, #tpu.memory_space<vmem>>
        %dma_start3A_353 = arith.constant 0 : i32
        %dma_start3A_354 = tpu.memref_slice %arg5[%squeeze3A_333, %dma_start3A_353] : memref<1000000x16xf32, #tpu.memory_space<hbm>> -> memref<1x16xf32, #tpu.memory_space<hbm>>
        %dma_start3A_355 = tpu.memref_squeeze %dma_start3A_354 : memref<1x16xf32, #tpu.memory_space<hbm>> -> memref<16xf32, #tpu.memory_space<hbm>>
        %dma_start3A_356 = arith.constant 0 : i32
        %dma_start3A_357 = tpu.memref_slice %arg11[%add3A_337, %dma_start3A_356] : memref<128x16xf32, #tpu.memory_space<vmem>> -> memref<1x16xf32, #tpu.memory_space<vmem>>
        %dma_start3A_358 = tpu.memref_squeeze %dma_start3A_357 : memref<1x16xf32, #tpu.memory_space<vmem>> -> memref<16xf32, #tpu.memory_space<vmem>>
        %dma_start3A_359 = arith.constant 0 : i32
        %dma_start3A_360 = tpu.memref_slice %arg5[%squeeze3A_333, %dma_start3A_359] : memref<1000000x16xf32, #tpu.memory_space<hbm>> -> memref<1x16xf32, #tpu.memory_space<hbm>>
        %dma_start3A_361 = tpu.memref_squeeze %dma_start3A_360 : memref<1x16xf32, #tpu.memory_space<hbm>> -> memref<16xf32, #tpu.memory_space<hbm>>
        tpu.enqueue_dma source(%dma_start3A_361 : memref<16xf32, #tpu.memory_space<hbm>>) target(%dma_start3A_358 : memref<16xf32, #tpu.memory_space<vmem>>) target_semaphore(%arg12 : memref<!tpu.dma_semaphore, #tpu.memory_space<semaphore_mem>>)
        %slice3A_362 = vector.extract_strided_slice %get3A_36 {offsets = [10], sizes = [1], strides = [1]} : vector<16xi32> to vector<1xi32>
        %squeeze3A_363 = vector.extract %slice3A_362[0] : i32 from vector<1xi32>
        %slice3A_364 = vector.extract_strided_slice %get3A_44 {offsets = [10], sizes = [1], strides = [1]} : vector<16xi32> to vector<1xi32>
        %squeeze3A_365 = vector.extract %slice3A_364[0] : i32 from vector<1xi32>
        %mul3A_366 = arith.constant 16 : i32
        %mul3A_367 = arith.muli %scan3A_29, %mul3A_366 : i32
        %add3A_368 = arith.constant 10 : i32
        %add3A_369 = arith.addi %mul3A_367, %add3A_368 : i32
        %dma_start3A_370 = arith.constant 0 : i32
        %dma_start3A_371 = tpu.memref_slice %arg10[%add3A_369, %dma_start3A_370] : memref<128x16xf32, #tpu.memory_space<vmem>> -> memref<1x16xf32, #tpu.memory_space<vmem>>
        %dma_start3A_372 = tpu.memref_squeeze %dma_start3A_371 : memref<1x16xf32, #tpu.memory_space<vmem>> -> memref<16xf32, #tpu.memory_space<vmem>>
        %dma_start3A_373 = arith.constant 0 : i32
        %dma_start3A_374 = tpu.memref_slice %arg4[%squeeze3A_363, %dma_start3A_373] : memref<1000000x16xf32, #tpu.memory_space<hbm>> -> memref<1x16xf32, #tpu.memory_space<hbm>>
        %dma_start3A_375 = tpu.memref_squeeze %dma_start3A_374 : memref<1x16xf32, #tpu.memory_space<hbm>> -> memref<16xf32, #tpu.memory_space<hbm>>
        %dma_start3A_376 = arith.constant 0 : i32
        %dma_start3A_377 = tpu.memref_slice %arg10[%add3A_369, %dma_start3A_376] : memref<128x16xf32, #tpu.memory_space<vmem>> -> memref<1x16xf32, #tpu.memory_space<vmem>>
        %dma_start3A_378 = tpu.memref_squeeze %dma_start3A_377 : memref<1x16xf32, #tpu.memory_space<vmem>> -> memref<16xf32, #tpu.memory_space<vmem>>
        %dma_start3A_379 = arith.constant 0 : i32
        %dma_start3A_380 = tpu.memref_slice %arg4[%squeeze3A_363, %dma_start3A_379] : memref<1000000x16xf32, #tpu.memory_space<hbm>> -> memref<1x16xf32, #tpu.memory_space<hbm>>
        %dma_start3A_381 = tpu.memref_squeeze %dma_start3A_380 : memref<1x16xf32, #tpu.memory_space<hbm>> -> memref<16xf32, #tpu.memory_space<hbm>>
        tpu.enqueue_dma source(%dma_start3A_381 : memref<16xf32, #tpu.memory_space<hbm>>) target(%dma_start3A_378 : memref<16xf32, #tpu.memory_space<vmem>>) target_semaphore(%arg12 : memref<!tpu.dma_semaphore, #tpu.memory_space<semaphore_mem>>)
        %dma_start3A_382 = arith.constant 0 : i32
        %dma_start3A_383 = tpu.memref_slice %arg11[%add3A_369, %dma_start3A_382] : memref<128x16xf32, #tpu.memory_space<vmem>> -> memref<1x16xf32, #tpu.memory_space<vmem>>
        %dma_start3A_384 = tpu.memref_squeeze %dma_start3A_383 : memref<1x16xf32, #tpu.memory_space<vmem>> -> memref<16xf32, #tpu.memory_space<vmem>>
        %dma_start3A_385 = arith.constant 0 : i32
        %dma_start3A_386 = tpu.memref_slice %arg5[%squeeze3A_365, %dma_start3A_385] : memref<1000000x16xf32, #tpu.memory_space<hbm>> -> memref<1x16xf32, #tpu.memory_space<hbm>>
        %dma_start3A_387 = tpu.memref_squeeze %dma_start3A_386 : memref<1x16xf32, #tpu.memory_space<hbm>> -> memref<16xf32, #tpu.memory_space<hbm>>
        %dma_start3A_388 = arith.constant 0 : i32
        %dma_start3A_389 = tpu.memref_slice %arg11[%add3A_369, %dma_start3A_388] : memref<128x16xf32, #tpu.memory_space<vmem>> -> memref<1x16xf32, #tpu.memory_space<vmem>>
        %dma_start3A_390 = tpu.memref_squeeze %dma_start3A_389 : memref<1x16xf32, #tpu.memory_space<vmem>> -> memref<16xf32, #tpu.memory_space<vmem>>
        %dma_start3A_391 = arith.constant 0 : i32
        %dma_start3A_392 = tpu.memref_slice %arg5[%squeeze3A_365, %dma_start3A_391] : memref<1000000x16xf32, #tpu.memory_space<hbm>> -> memref<1x16xf32, #tpu.memory_space<hbm>>
        %dma_start3A_393 = tpu.memref_squeeze %dma_start3A_392 : memref<1x16xf32, #tpu.memory_space<hbm>> -> memref<16xf32, #tpu.memory_space<hbm>>
        tpu.enqueue_dma source(%dma_start3A_393 : memref<16xf32, #tpu.memory_space<hbm>>) target(%dma_start3A_390 : memref<16xf32, #tpu.memory_space<vmem>>) target_semaphore(%arg12 : memref<!tpu.dma_semaphore, #tpu.memory_space<semaphore_mem>>)
        %slice3A_394 = vector.extract_strided_slice %get3A_36 {offsets = [11], sizes = [1], strides = [1]} : vector<16xi32> to vector<1xi32>
        %squeeze3A_395 = vector.extract %slice3A_394[0] : i32 from vector<1xi32>
        %slice3A_396 = vector.extract_strided_slice %get3A_44 {offsets = [11], sizes = [1], strides = [1]} : vector<16xi32> to vector<1xi32>
        %squeeze3A_397 = vector.extract %slice3A_396[0] : i32 from vector<1xi32>
        %mul3A_398 = arith.constant 16 : i32
        %mul3A_399 = arith.muli %scan3A_29, %mul3A_398 : i32
        %add3A_400 = arith.constant 11 : i32
        %add3A_401 = arith.addi %mul3A_399, %add3A_400 : i32
        %dma_start3A_402 = arith.constant 0 : i32
        %dma_start3A_403 = tpu.memref_slice %arg10[%add3A_401, %dma_start3A_402] : memref<128x16xf32, #tpu.memory_space<vmem>> -> memref<1x16xf32, #tpu.memory_space<vmem>>
        %dma_start3A_404 = tpu.memref_squeeze %dma_start3A_403 : memref<1x16xf32, #tpu.memory_space<vmem>> -> memref<16xf32, #tpu.memory_space<vmem>>
        %dma_start3A_405 = arith.constant 0 : i32
        %dma_start3A_406 = tpu.memref_slice %arg4[%squeeze3A_395, %dma_start3A_405] : memref<1000000x16xf32, #tpu.memory_space<hbm>> -> memref<1x16xf32, #tpu.memory_space<hbm>>
        %dma_start3A_407 = tpu.memref_squeeze %dma_start3A_406 : memref<1x16xf32, #tpu.memory_space<hbm>> -> memref<16xf32, #tpu.memory_space<hbm>>
        %dma_start3A_408 = arith.constant 0 : i32
        %dma_start3A_409 = tpu.memref_slice %arg10[%add3A_401, %dma_start3A_408] : memref<128x16xf32, #tpu.memory_space<vmem>> -> memref<1x16xf32, #tpu.memory_space<vmem>>
        %dma_start3A_410 = tpu.memref_squeeze %dma_start3A_409 : memref<1x16xf32, #tpu.memory_space<vmem>> -> memref<16xf32, #tpu.memory_space<vmem>>
        %dma_start3A_411 = arith.constant 0 : i32
        %dma_start3A_412 = tpu.memref_slice %arg4[%squeeze3A_395, %dma_start3A_411] : memref<1000000x16xf32, #tpu.memory_space<hbm>> -> memref<1x16xf32, #tpu.memory_space<hbm>>
        %dma_start3A_413 = tpu.memref_squeeze %dma_start3A_412 : memref<1x16xf32, #tpu.memory_space<hbm>> -> memref<16xf32, #tpu.memory_space<hbm>>
        tpu.enqueue_dma source(%dma_start3A_413 : memref<16xf32, #tpu.memory_space<hbm>>) target(%dma_start3A_410 : memref<16xf32, #tpu.memory_space<vmem>>) target_semaphore(%arg12 : memref<!tpu.dma_semaphore, #tpu.memory_space<semaphore_mem>>)
        %dma_start3A_414 = arith.constant 0 : i32
        %dma_start3A_415 = tpu.memref_slice %arg11[%add3A_401, %dma_start3A_414] : memref<128x16xf32, #tpu.memory_space<vmem>> -> memref<1x16xf32, #tpu.memory_space<vmem>>
        %dma_start3A_416 = tpu.memref_squeeze %dma_start3A_415 : memref<1x16xf32, #tpu.memory_space<vmem>> -> memref<16xf32, #tpu.memory_space<vmem>>
        %dma_start3A_417 = arith.constant 0 : i32
        %dma_start3A_418 = tpu.memref_slice %arg5[%squeeze3A_397, %dma_start3A_417] : memref<1000000x16xf32, #tpu.memory_space<hbm>> -> memref<1x16xf32, #tpu.memory_space<hbm>>
        %dma_start3A_419 = tpu.memref_squeeze %dma_start3A_418 : memref<1x16xf32, #tpu.memory_space<hbm>> -> memref<16xf32, #tpu.memory_space<hbm>>
        %dma_start3A_420 = arith.constant 0 : i32
        %dma_start3A_421 = tpu.memref_slice %arg11[%add3A_401, %dma_start3A_420] : memref<128x16xf32, #tpu.memory_space<vmem>> -> memref<1x16xf32, #tpu.memory_space<vmem>>
        %dma_start3A_422 = tpu.memref_squeeze %dma_start3A_421 : memref<1x16xf32, #tpu.memory_space<vmem>> -> memref<16xf32, #tpu.memory_space<vmem>>
        %dma_start3A_423 = arith.constant 0 : i32
        %dma_start3A_424 = tpu.memref_slice %arg5[%squeeze3A_397, %dma_start3A_423] : memref<1000000x16xf32, #tpu.memory_space<hbm>> -> memref<1x16xf32, #tpu.memory_space<hbm>>
        %dma_start3A_425 = tpu.memref_squeeze %dma_start3A_424 : memref<1x16xf32, #tpu.memory_space<hbm>> -> memref<16xf32, #tpu.memory_space<hbm>>
        tpu.enqueue_dma source(%dma_start3A_425 : memref<16xf32, #tpu.memory_space<hbm>>) target(%dma_start3A_422 : memref<16xf32, #tpu.memory_space<vmem>>) target_semaphore(%arg12 : memref<!tpu.dma_semaphore, #tpu.memory_space<semaphore_mem>>)
        %slice3A_426 = vector.extract_strided_slice %get3A_36 {offsets = [12], sizes = [1], strides = [1]} : vector<16xi32> to vector<1xi32>
        %squeeze3A_427 = vector.extract %slice3A_426[0] : i32 from vector<1xi32>
        %slice3A_428 = vector.extract_strided_slice %get3A_44 {offsets = [12], sizes = [1], strides = [1]} : vector<16xi32> to vector<1xi32>
        %squeeze3A_429 = vector.extract %slice3A_428[0] : i32 from vector<1xi32>
        %mul3A_430 = arith.constant 16 : i32
        %mul3A_431 = arith.muli %scan3A_29, %mul3A_430 : i32
        %add3A_432 = arith.constant 12 : i32
        %add3A_433 = arith.addi %mul3A_431, %add3A_432 : i32
        %dma_start3A_434 = arith.constant 0 : i32
        %dma_start3A_435 = tpu.memref_slice %arg10[%add3A_433, %dma_start3A_434] : memref<128x16xf32, #tpu.memory_space<vmem>> -> memref<1x16xf32, #tpu.memory_space<vmem>>
        %dma_start3A_436 = tpu.memref_squeeze %dma_start3A_435 : memref<1x16xf32, #tpu.memory_space<vmem>> -> memref<16xf32, #tpu.memory_space<vmem>>
        %dma_start3A_437 = arith.constant 0 : i32
        %dma_start3A_438 = tpu.memref_slice %arg4[%squeeze3A_427, %dma_start3A_437] : memref<1000000x16xf32, #tpu.memory_space<hbm>> -> memref<1x16xf32, #tpu.memory_space<hbm>>
        %dma_start3A_439 = tpu.memref_squeeze %dma_start3A_438 : memref<1x16xf32, #tpu.memory_space<hbm>> -> memref<16xf32, #tpu.memory_space<hbm>>
        %dma_start3A_440 = arith.constant 0 : i32
        %dma_start3A_441 = tpu.memref_slice %arg10[%add3A_433, %dma_start3A_440] : memref<128x16xf32, #tpu.memory_space<vmem>> -> memref<1x16xf32, #tpu.memory_space<vmem>>
        %dma_start3A_442 = tpu.memref_squeeze %dma_start3A_441 : memref<1x16xf32, #tpu.memory_space<vmem>> -> memref<16xf32, #tpu.memory_space<vmem>>
        %dma_start3A_443 = arith.constant 0 : i32
        %dma_start3A_444 = tpu.memref_slice %arg4[%squeeze3A_427, %dma_start3A_443] : memref<1000000x16xf32, #tpu.memory_space<hbm>> -> memref<1x16xf32, #tpu.memory_space<hbm>>
        %dma_start3A_445 = tpu.memref_squeeze %dma_start3A_444 : memref<1x16xf32, #tpu.memory_space<hbm>> -> memref<16xf32, #tpu.memory_space<hbm>>
        tpu.enqueue_dma source(%dma_start3A_445 : memref<16xf32, #tpu.memory_space<hbm>>) target(%dma_start3A_442 : memref<16xf32, #tpu.memory_space<vmem>>) target_semaphore(%arg12 : memref<!tpu.dma_semaphore, #tpu.memory_space<semaphore_mem>>)
        %dma_start3A_446 = arith.constant 0 : i32
        %dma_start3A_447 = tpu.memref_slice %arg11[%add3A_433, %dma_start3A_446] : memref<128x16xf32, #tpu.memory_space<vmem>> -> memref<1x16xf32, #tpu.memory_space<vmem>>
        %dma_start3A_448 = tpu.memref_squeeze %dma_start3A_447 : memref<1x16xf32, #tpu.memory_space<vmem>> -> memref<16xf32, #tpu.memory_space<vmem>>
        %dma_start3A_449 = arith.constant 0 : i32
        %dma_start3A_450 = tpu.memref_slice %arg5[%squeeze3A_429, %dma_start3A_449] : memref<1000000x16xf32, #tpu.memory_space<hbm>> -> memref<1x16xf32, #tpu.memory_space<hbm>>
        %dma_start3A_451 = tpu.memref_squeeze %dma_start3A_450 : memref<1x16xf32, #tpu.memory_space<hbm>> -> memref<16xf32, #tpu.memory_space<hbm>>
        %dma_start3A_452 = arith.constant 0 : i32
        %dma_start3A_453 = tpu.memref_slice %arg11[%add3A_433, %dma_start3A_452] : memref<128x16xf32, #tpu.memory_space<vmem>> -> memref<1x16xf32, #tpu.memory_space<vmem>>
        %dma_start3A_454 = tpu.memref_squeeze %dma_start3A_453 : memref<1x16xf32, #tpu.memory_space<vmem>> -> memref<16xf32, #tpu.memory_space<vmem>>
        %dma_start3A_455 = arith.constant 0 : i32
        %dma_start3A_456 = tpu.memref_slice %arg5[%squeeze3A_429, %dma_start3A_455] : memref<1000000x16xf32, #tpu.memory_space<hbm>> -> memref<1x16xf32, #tpu.memory_space<hbm>>
        %dma_start3A_457 = tpu.memref_squeeze %dma_start3A_456 : memref<1x16xf32, #tpu.memory_space<hbm>> -> memref<16xf32, #tpu.memory_space<hbm>>
        tpu.enqueue_dma source(%dma_start3A_457 : memref<16xf32, #tpu.memory_space<hbm>>) target(%dma_start3A_454 : memref<16xf32, #tpu.memory_space<vmem>>) target_semaphore(%arg12 : memref<!tpu.dma_semaphore, #tpu.memory_space<semaphore_mem>>)
        %slice3A_458 = vector.extract_strided_slice %get3A_36 {offsets = [13], sizes = [1], strides = [1]} : vector<16xi32> to vector<1xi32>
        %squeeze3A_459 = vector.extract %slice3A_458[0] : i32 from vector<1xi32>
        %slice3A_460 = vector.extract_strided_slice %get3A_44 {offsets = [13], sizes = [1], strides = [1]} : vector<16xi32> to vector<1xi32>
        %squeeze3A_461 = vector.extract %slice3A_460[0] : i32 from vector<1xi32>
        %mul3A_462 = arith.constant 16 : i32
        %mul3A_463 = arith.muli %scan3A_29, %mul3A_462 : i32
        %add3A_464 = arith.constant 13 : i32
        %add3A_465 = arith.addi %mul3A_463, %add3A_464 : i32
        %dma_start3A_466 = arith.constant 0 : i32
        %dma_start3A_467 = tpu.memref_slice %arg10[%add3A_465, %dma_start3A_466] : memref<128x16xf32, #tpu.memory_space<vmem>> -> memref<1x16xf32, #tpu.memory_space<vmem>>
        %dma_start3A_468 = tpu.memref_squeeze %dma_start3A_467 : memref<1x16xf32, #tpu.memory_space<vmem>> -> memref<16xf32, #tpu.memory_space<vmem>>
        %dma_start3A_469 = arith.constant 0 : i32
        %dma_start3A_470 = tpu.memref_slice %arg4[%squeeze3A_459, %dma_start3A_469] : memref<1000000x16xf32, #tpu.memory_space<hbm>> -> memref<1x16xf32, #tpu.memory_space<hbm>>
        %dma_start3A_471 = tpu.memref_squeeze %dma_start3A_470 : memref<1x16xf32, #tpu.memory_space<hbm>> -> memref<16xf32, #tpu.memory_space<hbm>>
        %dma_start3A_472 = arith.constant 0 : i32
        %dma_start3A_473 = tpu.memref_slice %arg10[%add3A_465, %dma_start3A_472] : memref<128x16xf32, #tpu.memory_space<vmem>> -> memref<1x16xf32, #tpu.memory_space<vmem>>
        %dma_start3A_474 = tpu.memref_squeeze %dma_start3A_473 : memref<1x16xf32, #tpu.memory_space<vmem>> -> memref<16xf32, #tpu.memory_space<vmem>>
        %dma_start3A_475 = arith.constant 0 : i32
        %dma_start3A_476 = tpu.memref_slice %arg4[%squeeze3A_459, %dma_start3A_475] : memref<1000000x16xf32, #tpu.memory_space<hbm>> -> memref<1x16xf32, #tpu.memory_space<hbm>>
        %dma_start3A_477 = tpu.memref_squeeze %dma_start3A_476 : memref<1x16xf32, #tpu.memory_space<hbm>> -> memref<16xf32, #tpu.memory_space<hbm>>
        tpu.enqueue_dma source(%dma_start3A_477 : memref<16xf32, #tpu.memory_space<hbm>>) target(%dma_start3A_474 : memref<16xf32, #tpu.memory_space<vmem>>) target_semaphore(%arg12 : memref<!tpu.dma_semaphore, #tpu.memory_space<semaphore_mem>>)
        %dma_start3A_478 = arith.constant 0 : i32
        %dma_start3A_479 = tpu.memref_slice %arg11[%add3A_465, %dma_start3A_478] : memref<128x16xf32, #tpu.memory_space<vmem>> -> memref<1x16xf32, #tpu.memory_space<vmem>>
        %dma_start3A_480 = tpu.memref_squeeze %dma_start3A_479 : memref<1x16xf32, #tpu.memory_space<vmem>> -> memref<16xf32, #tpu.memory_space<vmem>>
        %dma_start3A_481 = arith.constant 0 : i32
        %dma_start3A_482 = tpu.memref_slice %arg5[%squeeze3A_461, %dma_start3A_481] : memref<1000000x16xf32, #tpu.memory_space<hbm>> -> memref<1x16xf32, #tpu.memory_space<hbm>>
        %dma_start3A_483 = tpu.memref_squeeze %dma_start3A_482 : memref<1x16xf32, #tpu.memory_space<hbm>> -> memref<16xf32, #tpu.memory_space<hbm>>
        %dma_start3A_484 = arith.constant 0 : i32
        %dma_start3A_485 = tpu.memref_slice %arg11[%add3A_465, %dma_start3A_484] : memref<128x16xf32, #tpu.memory_space<vmem>> -> memref<1x16xf32, #tpu.memory_space<vmem>>
        %dma_start3A_486 = tpu.memref_squeeze %dma_start3A_485 : memref<1x16xf32, #tpu.memory_space<vmem>> -> memref<16xf32, #tpu.memory_space<vmem>>
        %dma_start3A_487 = arith.constant 0 : i32
        %dma_start3A_488 = tpu.memref_slice %arg5[%squeeze3A_461, %dma_start3A_487] : memref<1000000x16xf32, #tpu.memory_space<hbm>> -> memref<1x16xf32, #tpu.memory_space<hbm>>
        %dma_start3A_489 = tpu.memref_squeeze %dma_start3A_488 : memref<1x16xf32, #tpu.memory_space<hbm>> -> memref<16xf32, #tpu.memory_space<hbm>>
        tpu.enqueue_dma source(%dma_start3A_489 : memref<16xf32, #tpu.memory_space<hbm>>) target(%dma_start3A_486 : memref<16xf32, #tpu.memory_space<vmem>>) target_semaphore(%arg12 : memref<!tpu.dma_semaphore, #tpu.memory_space<semaphore_mem>>)
        %slice3A_490 = vector.extract_strided_slice %get3A_36 {offsets = [14], sizes = [1], strides = [1]} : vector<16xi32> to vector<1xi32>
        %squeeze3A_491 = vector.extract %slice3A_490[0] : i32 from vector<1xi32>
        %slice3A_492 = vector.extract_strided_slice %get3A_44 {offsets = [14], sizes = [1], strides = [1]} : vector<16xi32> to vector<1xi32>
        %squeeze3A_493 = vector.extract %slice3A_492[0] : i32 from vector<1xi32>
        %mul3A_494 = arith.constant 16 : i32
        %mul3A_495 = arith.muli %scan3A_29, %mul3A_494 : i32
        %add3A_496 = arith.constant 14 : i32
        %add3A_497 = arith.addi %mul3A_495, %add3A_496 : i32
        %dma_start3A_498 = arith.constant 0 : i32
        %dma_start3A_499 = tpu.memref_slice %arg10[%add3A_497, %dma_start3A_498] : memref<128x16xf32, #tpu.memory_space<vmem>> -> memref<1x16xf32, #tpu.memory_space<vmem>>
        %dma_start3A_500 = tpu.memref_squeeze %dma_start3A_499 : memref<1x16xf32, #tpu.memory_space<vmem>> -> memref<16xf32, #tpu.memory_space<vmem>>
        %dma_start3A_501 = arith.constant 0 : i32
        %dma_start3A_502 = tpu.memref_slice %arg4[%squeeze3A_491, %dma_start3A_501] : memref<1000000x16xf32, #tpu.memory_space<hbm>> -> memref<1x16xf32, #tpu.memory_space<hbm>>
        %dma_start3A_503 = tpu.memref_squeeze %dma_start3A_502 : memref<1x16xf32, #tpu.memory_space<hbm>> -> memref<16xf32, #tpu.memory_space<hbm>>
        %dma_start3A_504 = arith.constant 0 : i32
        %dma_start3A_505 = tpu.memref_slice %arg10[%add3A_497, %dma_start3A_504] : memref<128x16xf32, #tpu.memory_space<vmem>> -> memref<1x16xf32, #tpu.memory_space<vmem>>
        %dma_start3A_506 = tpu.memref_squeeze %dma_start3A_505 : memref<1x16xf32, #tpu.memory_space<vmem>> -> memref<16xf32, #tpu.memory_space<vmem>>
        %dma_start3A_507 = arith.constant 0 : i32
        %dma_start3A_508 = tpu.memref_slice %arg4[%squeeze3A_491, %dma_start3A_507] : memref<1000000x16xf32, #tpu.memory_space<hbm>> -> memref<1x16xf32, #tpu.memory_space<hbm>>
        %dma_start3A_509 = tpu.memref_squeeze %dma_start3A_508 : memref<1x16xf32, #tpu.memory_space<hbm>> -> memref<16xf32, #tpu.memory_space<hbm>>
        tpu.enqueue_dma source(%dma_start3A_509 : memref<16xf32, #tpu.memory_space<hbm>>) target(%dma_start3A_506 : memref<16xf32, #tpu.memory_space<vmem>>) target_semaphore(%arg12 : memref<!tpu.dma_semaphore, #tpu.memory_space<semaphore_mem>>)
        %dma_start3A_510 = arith.constant 0 : i32
        %dma_start3A_511 = tpu.memref_slice %arg11[%add3A_497, %dma_start3A_510] : memref<128x16xf32, #tpu.memory_space<vmem>> -> memref<1x16xf32, #tpu.memory_space<vmem>>
        %dma_start3A_512 = tpu.memref_squeeze %dma_start3A_511 : memref<1x16xf32, #tpu.memory_space<vmem>> -> memref<16xf32, #tpu.memory_space<vmem>>
        %dma_start3A_513 = arith.constant 0 : i32
        %dma_start3A_514 = tpu.memref_slice %arg5[%squeeze3A_493, %dma_start3A_513] : memref<1000000x16xf32, #tpu.memory_space<hbm>> -> memref<1x16xf32, #tpu.memory_space<hbm>>
        %dma_start3A_515 = tpu.memref_squeeze %dma_start3A_514 : memref<1x16xf32, #tpu.memory_space<hbm>> -> memref<16xf32, #tpu.memory_space<hbm>>
        %dma_start3A_516 = arith.constant 0 : i32
        %dma_start3A_517 = tpu.memref_slice %arg11[%add3A_497, %dma_start3A_516] : memref<128x16xf32, #tpu.memory_space<vmem>> -> memref<1x16xf32, #tpu.memory_space<vmem>>
        %dma_start3A_518 = tpu.memref_squeeze %dma_start3A_517 : memref<1x16xf32, #tpu.memory_space<vmem>> -> memref<16xf32, #tpu.memory_space<vmem>>
        %dma_start3A_519 = arith.constant 0 : i32
        %dma_start3A_520 = tpu.memref_slice %arg5[%squeeze3A_493, %dma_start3A_519] : memref<1000000x16xf32, #tpu.memory_space<hbm>> -> memref<1x16xf32, #tpu.memory_space<hbm>>
        %dma_start3A_521 = tpu.memref_squeeze %dma_start3A_520 : memref<1x16xf32, #tpu.memory_space<hbm>> -> memref<16xf32, #tpu.memory_space<hbm>>
        tpu.enqueue_dma source(%dma_start3A_521 : memref<16xf32, #tpu.memory_space<hbm>>) target(%dma_start3A_518 : memref<16xf32, #tpu.memory_space<vmem>>) target_semaphore(%arg12 : memref<!tpu.dma_semaphore, #tpu.memory_space<semaphore_mem>>)
        %slice3A_522 = vector.extract_strided_slice %get3A_36 {offsets = [15], sizes = [1], strides = [1]} : vector<16xi32> to vector<1xi32>
        %squeeze3A_523 = vector.extract %slice3A_522[0] : i32 from vector<1xi32>
        %slice3A_524 = vector.extract_strided_slice %get3A_44 {offsets = [15], sizes = [1], strides = [1]} : vector<16xi32> to vector<1xi32>
        %squeeze3A_525 = vector.extract %slice3A_524[0] : i32 from vector<1xi32>
        %mul3A_526 = arith.constant 16 : i32
        %mul3A_527 = arith.muli %scan3A_29, %mul3A_526 : i32
        %add3A_528 = arith.constant 15 : i32
        %add3A_529 = arith.addi %mul3A_527, %add3A_528 : i32
        %dma_start3A_530 = arith.constant 0 : i32
        %dma_start3A_531 = tpu.memref_slice %arg10[%add3A_529, %dma_start3A_530] : memref<128x16xf32, #tpu.memory_space<vmem>> -> memref<1x16xf32, #tpu.memory_space<vmem>>
        %dma_start3A_532 = tpu.memref_squeeze %dma_start3A_531 : memref<1x16xf32, #tpu.memory_space<vmem>> -> memref<16xf32, #tpu.memory_space<vmem>>
        %dma_start3A_533 = arith.constant 0 : i32
        %dma_start3A_534 = tpu.memref_slice %arg4[%squeeze3A_523, %dma_start3A_533] : memref<1000000x16xf32, #tpu.memory_space<hbm>> -> memref<1x16xf32, #tpu.memory_space<hbm>>
        %dma_start3A_535 = tpu.memref_squeeze %dma_start3A_534 : memref<1x16xf32, #tpu.memory_space<hbm>> -> memref<16xf32, #tpu.memory_space<hbm>>
        %dma_start3A_536 = arith.constant 0 : i32
        %dma_start3A_537 = tpu.memref_slice %arg10[%add3A_529, %dma_start3A_536] : memref<128x16xf32, #tpu.memory_space<vmem>> -> memref<1x16xf32, #tpu.memory_space<vmem>>
        %dma_start3A_538 = tpu.memref_squeeze %dma_start3A_537 : memref<1x16xf32, #tpu.memory_space<vmem>> -> memref<16xf32, #tpu.memory_space<vmem>>
        %dma_start3A_539 = arith.constant 0 : i32
        %dma_start3A_540 = tpu.memref_slice %arg4[%squeeze3A_523, %dma_start3A_539] : memref<1000000x16xf32, #tpu.memory_space<hbm>> -> memref<1x16xf32, #tpu.memory_space<hbm>>
        %dma_start3A_541 = tpu.memref_squeeze %dma_start3A_540 : memref<1x16xf32, #tpu.memory_space<hbm>> -> memref<16xf32, #tpu.memory_space<hbm>>
        tpu.enqueue_dma source(%dma_start3A_541 : memref<16xf32, #tpu.memory_space<hbm>>) target(%dma_start3A_538 : memref<16xf32, #tpu.memory_space<vmem>>) target_semaphore(%arg12 : memref<!tpu.dma_semaphore, #tpu.memory_space<semaphore_mem>>)
        %dma_start3A_542 = arith.constant 0 : i32
        %dma_start3A_543 = tpu.memref_slice %arg11[%add3A_529, %dma_start3A_542] : memref<128x16xf32, #tpu.memory_space<vmem>> -> memref<1x16xf32, #tpu.memory_space<vmem>>
        %dma_start3A_544 = tpu.memref_squeeze %dma_start3A_543 : memref<1x16xf32, #tpu.memory_space<vmem>> -> memref<16xf32, #tpu.memory_space<vmem>>
        %dma_start3A_545 = arith.constant 0 : i32
        %dma_start3A_546 = tpu.memref_slice %arg5[%squeeze3A_525, %dma_start3A_545] : memref<1000000x16xf32, #tpu.memory_space<hbm>> -> memref<1x16xf32, #tpu.memory_space<hbm>>
        %dma_start3A_547 = tpu.memref_squeeze %dma_start3A_546 : memref<1x16xf32, #tpu.memory_space<hbm>> -> memref<16xf32, #tpu.memory_space<hbm>>
        %dma_start3A_548 = arith.constant 0 : i32
        %dma_start3A_549 = tpu.memref_slice %arg11[%add3A_529, %dma_start3A_548] : memref<128x16xf32, #tpu.memory_space<vmem>> -> memref<1x16xf32, #tpu.memory_space<vmem>>
        %dma_start3A_550 = tpu.memref_squeeze %dma_start3A_549 : memref<1x16xf32, #tpu.memory_space<vmem>> -> memref<16xf32, #tpu.memory_space<vmem>>
        %dma_start3A_551 = arith.constant 0 : i32
        %dma_start3A_552 = tpu.memref_slice %arg5[%squeeze3A_525, %dma_start3A_551] : memref<1000000x16xf32, #tpu.memory_space<hbm>> -> memref<1x16xf32, #tpu.memory_space<hbm>>
        %dma_start3A_553 = tpu.memref_squeeze %dma_start3A_552 : memref<1x16xf32, #tpu.memory_space<hbm>> -> memref<16xf32, #tpu.memory_space<hbm>>
        tpu.enqueue_dma source(%dma_start3A_553 : memref<16xf32, #tpu.memory_space<hbm>>) target(%dma_start3A_550 : memref<16xf32, #tpu.memory_space<vmem>>) target_semaphore(%arg12 : memref<!tpu.dma_semaphore, #tpu.memory_space<semaphore_mem>>)
      }
      %scan3A_14 = arith.constant 8 : i32
      %dma_wait3A = arith.constant 0 : i32
      %dma_wait3A_15 = arith.constant 0 : i32
      %dma_wait3A_16 = tpu.memref_slice %arg4[%dma_wait3A, %dma_wait3A_15] : memref<1000000x16xf32, #tpu.memory_space<hbm>> -> memref<128x16xf32, #tpu.memory_space<hbm>>
      %dma_wait3A_17 = arith.constant 0 : i32
      %dma_wait3A_18 = arith.constant 0 : i32
      %dma_wait3A_19 = tpu.memref_slice %arg4[%dma_wait3A_17, %dma_wait3A_18] : memref<1000000x16xf32, #tpu.memory_space<hbm>> -> memref<128x16xf32, #tpu.memory_space<hbm>>
      tpu.wait_dma2 semaphore(%arg12 : memref<!tpu.dma_semaphore, #tpu.memory_space<semaphore_mem>>) src(%dma_wait3A_19 : memref<128x16xf32, #tpu.memory_space<hbm>>) dst(%arg10 : memref<128x16xf32, #tpu.memory_space<vmem>>)
      %dma_wait3A_20 = arith.constant 0 : i32
      %dma_wait3A_21 = arith.constant 0 : i32
      %dma_wait3A_22 = tpu.memref_slice %arg5[%dma_wait3A_20, %dma_wait3A_21] : memref<1000000x16xf32, #tpu.memory_space<hbm>> -> memref<128x16xf32, #tpu.memory_space<hbm>>
      %dma_wait3A_23 = arith.constant 0 : i32
      %dma_wait3A_24 = arith.constant 0 : i32
      %dma_wait3A_25 = tpu.memref_slice %arg5[%dma_wait3A_23, %dma_wait3A_24] : memref<1000000x16xf32, #tpu.memory_space<hbm>> -> memref<128x16xf32, #tpu.memory_space<hbm>>
      tpu.wait_dma2 semaphore(%arg12 : memref<!tpu.dma_semaphore, #tpu.memory_space<semaphore_mem>>) src(%dma_wait3A_25 : memref<128x16xf32, #tpu.memory_space<hbm>>) dst(%arg11 : memref<128x16xf32, #tpu.memory_space<vmem>>)
      %mul3A_26 = arith.constant 128 : i32
      %mul3A_27 = arith.muli %scan3A_8, %mul3A_26 : i32
      %add3A_28 = arith.addi %mul3A_2, %mul3A_27 : i32
      "tpu.region"() ({
        %run_scoped3A = tpu.sem_alloc : memref<!tpu.dma_semaphore, #tpu.memory_space<semaphore_mem>>
        %dma_start3A = arith.constant 0 : i32
        %dma_start3A_29 = tpu.memref_slice %arg6[%add3A_28, %dma_start3A] : memref<16384x16xf32, #tpu.memory_space<hbm>> -> memref<128x16xf32, #tpu.memory_space<hbm>>
        %dma_start3A_30 = arith.constant 0 : i32
        %dma_start3A_31 = tpu.memref_slice %arg6[%add3A_28, %dma_start3A_30] : memref<16384x16xf32, #tpu.memory_space<hbm>> -> memref<128x16xf32, #tpu.memory_space<hbm>>
        tpu.enqueue_dma source(%arg10 : memref<128x16xf32, #tpu.memory_space<vmem>>) target(%dma_start3A_31 : memref<128x16xf32, #tpu.memory_space<hbm>>) target_semaphore(%run_scoped3A : memref<!tpu.dma_semaphore, #tpu.memory_space<semaphore_mem>>)
        %dma_wait3A_32 = arith.constant 0 : i32
        %dma_wait3A_33 = tpu.memref_slice %arg6[%add3A_28, %dma_wait3A_32] : memref<16384x16xf32, #tpu.memory_space<hbm>> -> memref<128x16xf32, #tpu.memory_space<hbm>>
        %dma_wait3A_34 = arith.constant 0 : i32
        %dma_wait3A_35 = tpu.memref_slice %arg6[%add3A_28, %dma_wait3A_34] : memref<16384x16xf32, #tpu.memory_space<hbm>> -> memref<128x16xf32, #tpu.memory_space<hbm>>
        tpu.wait_dma2 semaphore(%run_scoped3A : memref<!tpu.dma_semaphore, #tpu.memory_space<semaphore_mem>>) src(%arg10 : memref<128x16xf32, #tpu.memory_space<vmem>>) dst(%dma_wait3A_35 : memref<128x16xf32, #tpu.memory_space<hbm>>)
        tpu.yield
      }) : () -> ()
      "tpu.region"() ({
        %run_scoped3A = tpu.sem_alloc : memref<!tpu.dma_semaphore, #tpu.memory_space<semaphore_mem>>
        %dma_start3A = arith.constant 0 : i32
        %dma_start3A_29 = tpu.memref_slice %arg7[%add3A_28, %dma_start3A] : memref<16384x16xf32, #tpu.memory_space<hbm>> -> memref<128x16xf32, #tpu.memory_space<hbm>>
        %dma_start3A_30 = arith.constant 0 : i32
        %dma_start3A_31 = tpu.memref_slice %arg7[%add3A_28, %dma_start3A_30] : memref<16384x16xf32, #tpu.memory_space<hbm>> -> memref<128x16xf32, #tpu.memory_space<hbm>>
        tpu.enqueue_dma source(%arg11 : memref<128x16xf32, #tpu.memory_space<vmem>>) target(%dma_start3A_31 : memref<128x16xf32, #tpu.memory_space<hbm>>) target_semaphore(%run_scoped3A : memref<!tpu.dma_semaphore, #tpu.memory_space<semaphore_mem>>)
        %dma_wait3A_32 = arith.constant 0 : i32
        %dma_wait3A_33 = tpu.memref_slice %arg7[%add3A_28, %dma_wait3A_32] : memref<16384x16xf32, #tpu.memory_space<hbm>> -> memref<128x16xf32, #tpu.memory_space<hbm>>
        %dma_wait3A_34 = arith.constant 0 : i32
        %dma_wait3A_35 = tpu.memref_slice %arg7[%add3A_28, %dma_wait3A_34] : memref<16384x16xf32, #tpu.memory_space<hbm>> -> memref<128x16xf32, #tpu.memory_space<hbm>>
        tpu.wait_dma2 semaphore(%run_scoped3A : memref<!tpu.dma_semaphore, #tpu.memory_space<semaphore_mem>>) src(%arg11 : memref<128x16xf32, #tpu.memory_space<vmem>>) dst(%dma_wait3A_35 : memref<128x16xf32, #tpu.memory_space<hbm>>)
        tpu.yield
      }) : () -> ()
    }
    %scan3A_7 = arith.constant 4 : i32
    return
  }
}

module attributes {stable_mosaic.version = 14 : i64} {
  func.func @body(%arg0: i32, %arg1: memref<2048x128xf32, #tpu.memory_space<vmem>>, %arg2: memref<2048x16xf32, #tpu.memory_space<vmem>>, %arg3: memref<2048x16xf32, #tpu.memory_space<vmem>>, %arg4: memref<2048x16xf32, #tpu.memory_space<vmem>>, %arg5: memref<2048x16xf32, #tpu.memory_space<vmem>>, %arg6: memref<128x16xf32, #tpu.memory_space<vmem>>, %arg7: memref<16x64xf32, #tpu.memory_space<vmem>>, %arg8: memref<16x64xf32, #tpu.memory_space<vmem>>, %arg9: memref<16x64xf32, #tpu.memory_space<vmem>>, %arg10: memref<1x64xf32, #tpu.memory_space<vmem>>, %arg11: memref<64x32xf32, #tpu.memory_space<vmem>>, %arg12: memref<1x32xf32, #tpu.memory_space<vmem>>, %arg13: memref<1x16xf32, #tpu.memory_space<vmem>>, %arg14: memref<1x32xf32, #tpu.memory_space<vmem>>, %arg15: memref<2048x1xf32, #tpu.memory_space<vmem>>) attributes {dimension_semantics = [#tpu.dimension_semantics<arbitrary>], iteration_bounds = array<i64: 8>, scalar_prefetch = 0 : i64, scratch_operands = 0 : i64, tpu.core_type = #tpu.core_type<tc>, window_params = [{transform_indices = @transform_0, window_bounds = array<i64: 2048, 128>}, {transform_indices = @transform_1, window_bounds = array<i64: 2048, 16>}, {transform_indices = @transform_2, window_bounds = array<i64: 2048, 16>}, {transform_indices = @transform_3, window_bounds = array<i64: 2048, 16>}, {transform_indices = @transform_4, window_bounds = array<i64: 2048, 16>}, {pipeline_mode = #tpu.pipeline_mode<synchronous>, transform_indices = @transform_5, window_bounds = array<i64: 128, 16>}, {pipeline_mode = #tpu.pipeline_mode<synchronous>, transform_indices = @transform_6, window_bounds = array<i64: 16, 64>}, {pipeline_mode = #tpu.pipeline_mode<synchronous>, transform_indices = @transform_7, window_bounds = array<i64: 16, 64>}, {pipeline_mode = #tpu.pipeline_mode<synchronous>, transform_indices = @transform_8, window_bounds = array<i64: 16, 64>}, {pipeline_mode = #tpu.pipeline_mode<synchronous>, transform_indices = @transform_9, window_bounds = array<i64: 1, 64>}, {pipeline_mode = #tpu.pipeline_mode<synchronous>, transform_indices = @transform_10, window_bounds = array<i64: 64, 32>}, {pipeline_mode = #tpu.pipeline_mode<synchronous>, transform_indices = @transform_11, window_bounds = array<i64: 1, 32>}, {pipeline_mode = #tpu.pipeline_mode<synchronous>, transform_indices = @transform_12, window_bounds = array<i64: 1, 16>}, {pipeline_mode = #tpu.pipeline_mode<synchronous>, transform_indices = @transform_13, window_bounds = array<i64: 1, 32>}, {transform_indices = @transform_14, window_bounds = array<i64: 2048, 1>}]} {
    %get3A = arith.constant 0 : index
    %get3A_0 = arith.constant 0 : index
    %get3A_1 = vector.load %arg1[%get3A, %get3A_0] : memref<2048x128xf32, #tpu.memory_space<vmem>>, vector<2048x128xf32>
    %get3A_2 = arith.constant 0 : index
    %get3A_3 = arith.constant 0 : index
    %get3A_4 = vector.load %arg6[%get3A_2, %get3A_3] : memref<128x16xf32, #tpu.memory_space<vmem>>, vector<128x16xf32>
    %dot_general3A = arith.constant dense<0.000000e+00> : vector<2048x16xf32>
    %dot_general3A_5 = tpu.matmul %get3A_1, %get3A_4, %dot_general3A {dimension_numbers = #tpu.dot_dimension_numbers<[1], [0], [0], [1], [0, 0, 1, 1], [], []>, transpose_lhs_hint = false} : vector<2048x128xf32>, vector<128x16xf32>, vector<2048x16xf32> -> vector<2048x16xf32>
    %max3A = arith.constant 0.000000e+00 : f32
    %max3A_6 = vector.broadcast %max3A : f32 to vector<2048x16xf32>
    %max3A_7 = arith.maximumf %dot_general3A_5, %max3A_6 : vector<2048x16xf32>
    %get3A_8 = arith.constant 0 : index
    %get3A_9 = arith.constant 0 : index
    %get3A_10 = vector.load %arg4[%get3A_8, %get3A_9] : memref<2048x16xf32, #tpu.memory_space<vmem>>, vector<2048x16xf32>
    %get3A_11 = arith.constant 0 : index
    %get3A_12 = arith.constant 0 : index
    %get3A_13 = vector.load %arg7[%get3A_11, %get3A_12] : memref<16x64xf32, #tpu.memory_space<vmem>>, vector<16x64xf32>
    %dot_general3A_14 = arith.constant dense<0.000000e+00> : vector<2048x64xf32>
    %dot_general3A_15 = tpu.matmul %get3A_10, %get3A_13, %dot_general3A_14 {dimension_numbers = #tpu.dot_dimension_numbers<[1], [0], [0], [1], [0, 0, 1, 1], [], []>, transpose_lhs_hint = false} : vector<2048x16xf32>, vector<16x64xf32>, vector<2048x64xf32> -> vector<2048x64xf32>
    %get3A_16 = arith.constant 0 : index
    %get3A_17 = arith.constant 0 : index
    %get3A_18 = vector.load %arg5[%get3A_16, %get3A_17] : memref<2048x16xf32, #tpu.memory_space<vmem>>, vector<2048x16xf32>
    %get3A_19 = arith.constant 0 : index
    %get3A_20 = arith.constant 0 : index
    %get3A_21 = vector.load %arg8[%get3A_19, %get3A_20] : memref<16x64xf32, #tpu.memory_space<vmem>>, vector<16x64xf32>
    %dot_general3A_22 = arith.constant dense<0.000000e+00> : vector<2048x64xf32>
    %dot_general3A_23 = tpu.matmul %get3A_18, %get3A_21, %dot_general3A_22 {dimension_numbers = #tpu.dot_dimension_numbers<[1], [0], [0], [1], [0, 0, 1, 1], [], []>, transpose_lhs_hint = false} : vector<2048x16xf32>, vector<16x64xf32>, vector<2048x64xf32> -> vector<2048x64xf32>
    %add3A = arith.addf %dot_general3A_15, %dot_general3A_23 : vector<2048x64xf32>
    %get3A_24 = arith.constant 0 : index
    %get3A_25 = arith.constant 0 : index
    %get3A_26 = vector.load %arg9[%get3A_24, %get3A_25] : memref<16x64xf32, #tpu.memory_space<vmem>>, vector<16x64xf32>
    %dot_general3A_27 = arith.constant dense<0.000000e+00> : vector<2048x64xf32>
    %dot_general3A_28 = tpu.matmul %max3A_7, %get3A_26, %dot_general3A_27 {dimension_numbers = #tpu.dot_dimension_numbers<[1], [0], [0], [1], [0, 0, 1, 1], [], []>, transpose_lhs_hint = false} : vector<2048x16xf32>, vector<16x64xf32>, vector<2048x64xf32> -> vector<2048x64xf32>
    %add3A_29 = arith.addf %add3A, %dot_general3A_28 : vector<2048x64xf32>
    %get3A_30 = arith.constant 0 : index
    %get3A_31 = arith.constant 0 : index
    %get3A_32 = vector.load %arg10[%get3A_30, %get3A_31] : memref<1x64xf32, #tpu.memory_space<vmem>>, vector<1x64xf32>
    %add3A_33 = vector.broadcast %get3A_32 : vector<1x64xf32> to vector<2048x64xf32>
    %add3A_34 = arith.addf %add3A_29, %add3A_33 : vector<2048x64xf32>
    %max3A_35 = arith.constant 0.000000e+00 : f32
    %max3A_36 = vector.broadcast %max3A_35 : f32 to vector<2048x64xf32>
    %max3A_37 = arith.maximumf %add3A_34, %max3A_36 : vector<2048x64xf32>
    %get3A_38 = arith.constant 0 : index
    %get3A_39 = arith.constant 0 : index
    %get3A_40 = vector.load %arg11[%get3A_38, %get3A_39] : memref<64x32xf32, #tpu.memory_space<vmem>>, vector<64x32xf32>
    %dot_general3A_41 = arith.constant dense<0.000000e+00> : vector<2048x32xf32>
    %dot_general3A_42 = tpu.matmul %max3A_37, %get3A_40, %dot_general3A_41 {dimension_numbers = #tpu.dot_dimension_numbers<[1], [0], [0], [1], [0, 0, 1, 1], [], []>, transpose_lhs_hint = false} : vector<2048x64xf32>, vector<64x32xf32>, vector<2048x32xf32> -> vector<2048x32xf32>
    %get3A_43 = arith.constant 0 : index
    %get3A_44 = arith.constant 0 : index
    %get3A_45 = vector.load %arg12[%get3A_43, %get3A_44] : memref<1x32xf32, #tpu.memory_space<vmem>>, vector<1x32xf32>
    %add3A_46 = vector.broadcast %get3A_45 : vector<1x32xf32> to vector<2048x32xf32>
    %add3A_47 = arith.addf %dot_general3A_42, %add3A_46 : vector<2048x32xf32>
    %max3A_48 = arith.constant 0.000000e+00 : f32
    %max3A_49 = vector.broadcast %max3A_48 : f32 to vector<2048x32xf32>
    %max3A_50 = arith.maximumf %add3A_47, %max3A_49 : vector<2048x32xf32>
    %get3A_51 = arith.constant 0 : index
    %get3A_52 = arith.constant 0 : index
    %get3A_53 = vector.load %arg2[%get3A_51, %get3A_52] : memref<2048x16xf32, #tpu.memory_space<vmem>>, vector<2048x16xf32>
    %get3A_54 = arith.constant 0 : index
    %get3A_55 = arith.constant 0 : index
    %get3A_56 = vector.load %arg3[%get3A_54, %get3A_55] : memref<2048x16xf32, #tpu.memory_space<vmem>>, vector<2048x16xf32>
    %mul3A = arith.mulf %get3A_53, %get3A_56 : vector<2048x16xf32>
    %get3A_57 = arith.constant 0 : index
    %get3A_58 = arith.constant 0 : index
    %get3A_59 = vector.load %arg13[%get3A_57, %get3A_58] : memref<1x16xf32, #tpu.memory_space<vmem>>, vector<1x16xf32>
    %mul3A_60 = vector.broadcast %get3A_59 : vector<1x16xf32> to vector<2048x16xf32>
    %mul3A_61 = arith.mulf %mul3A, %mul3A_60 : vector<2048x16xf32>
    %reduce_sum3A = arith.constant dense<0.000000e+00> : vector<2048xf32>
    %reduce_sum3A_62 = vector.multi_reduction <add>, %mul3A_61, %reduce_sum3A [1] : vector<2048x16xf32> to vector<2048xf32>
    %broadcast_in_dim3A = vector.shape_cast %reduce_sum3A_62 : vector<2048xf32> to vector<2048x1xf32>
    %get3A_63 = arith.constant 0 : index
    %get3A_64 = arith.constant 0 : index
    %get3A_65 = vector.load %arg14[%get3A_63, %get3A_64] : memref<1x32xf32, #tpu.memory_space<vmem>>, vector<1x32xf32>
    %mul3A_66 = vector.broadcast %get3A_65 : vector<1x32xf32> to vector<2048x32xf32>
    %mul3A_67 = arith.mulf %max3A_50, %mul3A_66 : vector<2048x32xf32>
    %reduce_sum3A_68 = arith.constant dense<0.000000e+00> : vector<2048xf32>
    %reduce_sum3A_69 = vector.multi_reduction <add>, %mul3A_67, %reduce_sum3A_68 [1] : vector<2048x32xf32> to vector<2048xf32>
    %broadcast_in_dim3A_70 = vector.shape_cast %reduce_sum3A_69 : vector<2048xf32> to vector<2048x1xf32>
    %add3A_71 = arith.addf %broadcast_in_dim3A, %broadcast_in_dim3A_70 : vector<2048x1xf32>
    %logistic3A = arith.negf %add3A_71 : vector<2048x1xf32>
    %logistic3A_72 = math.exp %logistic3A : vector<2048x1xf32>
    %logistic3A_73 = arith.constant 1.000000e+00 : f32
    %logistic3A_74 = vector.broadcast %logistic3A_73 : f32 to vector<2048x1xf32>
    %logistic3A_75 = arith.addf %logistic3A_74, %logistic3A_72 : vector<2048x1xf32>
    %logistic3A_76 = arith.divf %logistic3A_74, %logistic3A_75 : vector<2048x1xf32>
    %swap3A = arith.constant 0 : index
    %swap3A_77 = arith.constant 0 : index
    %swap3A_78 = vector.load %arg15[%swap3A, %swap3A_77] : memref<2048x1xf32, #tpu.memory_space<vmem>>, vector<2048x1xf32>
    tpu.vector_store %arg15[%swap3A, %swap3A_77], %logistic3A_76 {strides = array<i32>} : memref<2048x1xf32, #tpu.memory_space<vmem>>, vector<2048x1xf32>,
    return
  }
  func.func @transform_0(%arg0: i32) -> (i32, i32) {
    %c0_i32 = arith.constant 0 : i32
    %c0_i32_0 = arith.constant 0 : i32
    return %arg0, %c0_i32 : i32, i32
  }
  func.func @transform_1(%arg0: i32) -> (i32, i32) {
    %c0_i32 = arith.constant 0 : i32
    %c0_i32_0 = arith.constant 0 : i32
    return %arg0, %c0_i32 : i32, i32
  }
  func.func @transform_2(%arg0: i32) -> (i32, i32) {
    %c0_i32 = arith.constant 0 : i32
    %c0_i32_0 = arith.constant 0 : i32
    return %arg0, %c0_i32 : i32, i32
  }
  func.func @transform_3(%arg0: i32) -> (i32, i32) {
    %c0_i32 = arith.constant 0 : i32
    %c0_i32_0 = arith.constant 0 : i32
    return %arg0, %c0_i32 : i32, i32
  }
  func.func @transform_4(%arg0: i32) -> (i32, i32) {
    %c0_i32 = arith.constant 0 : i32
    %c0_i32_0 = arith.constant 0 : i32
    return %arg0, %c0_i32 : i32, i32
  }
  func.func @transform_5(%arg0: i32) -> (i32, i32) {
    %c0_i32 = arith.constant 0 : i32
    %c0_i32_0 = arith.constant 0 : i32
    %c0_i32_1 = arith.constant 0 : i32
    return %c0_i32, %c0_i32_0 : i32, i32
  }
  func.func @transform_6(%arg0: i32) -> (i32, i32) {
    %c0_i32 = arith.constant 0 : i32
    %c0_i32_0 = arith.constant 0 : i32
    %c0_i32_1 = arith.constant 0 : i32
    return %c0_i32, %c0_i32_0 : i32, i32
  }
  func.func @transform_7(%arg0: i32) -> (i32, i32) {
    %c0_i32 = arith.constant 0 : i32
    %c0_i32_0 = arith.constant 0 : i32
    %c0_i32_1 = arith.constant 0 : i32
    return %c0_i32, %c0_i32_0 : i32, i32
  }
  func.func @transform_8(%arg0: i32) -> (i32, i32) {
    %c0_i32 = arith.constant 0 : i32
    %c0_i32_0 = arith.constant 0 : i32
    %c0_i32_1 = arith.constant 0 : i32
    return %c0_i32, %c0_i32_0 : i32, i32
  }
  func.func @transform_9(%arg0: i32) -> (i32, i32) {
    %c0_i32 = arith.constant 0 : i32
    %c0_i32_0 = arith.constant 0 : i32
    %c0_i32_1 = arith.constant 0 : i32
    return %c0_i32, %c0_i32_0 : i32, i32
  }
  func.func @transform_10(%arg0: i32) -> (i32, i32) {
    %c0_i32 = arith.constant 0 : i32
    %c0_i32_0 = arith.constant 0 : i32
    %c0_i32_1 = arith.constant 0 : i32
    return %c0_i32, %c0_i32_0 : i32, i32
  }
  func.func @transform_11(%arg0: i32) -> (i32, i32) {
    %c0_i32 = arith.constant 0 : i32
    %c0_i32_0 = arith.constant 0 : i32
    %c0_i32_1 = arith.constant 0 : i32
    return %c0_i32, %c0_i32_0 : i32, i32
  }
  func.func @transform_12(%arg0: i32) -> (i32, i32) {
    %c0_i32 = arith.constant 0 : i32
    %c0_i32_0 = arith.constant 0 : i32
    %c0_i32_1 = arith.constant 0 : i32
    return %c0_i32, %c0_i32_0 : i32, i32
  }
  func.func @transform_13(%arg0: i32) -> (i32, i32) {
    %c0_i32 = arith.constant 0 : i32
    %c0_i32_0 = arith.constant 0 : i32
    %c0_i32_1 = arith.constant 0 : i32
    return %c0_i32, %c0_i32_0 : i32, i32
  }
  func.func @transform_14(%arg0: i32) -> (i32, i32) {
    %c0_i32 = arith.constant 0 : i32
    %c0_i32_0 = arith.constant 0 : i32
    return %arg0, %c0_i32 : i32, i32
  }
}

module attributes {stable_mosaic.version = 14 : i64} {
  func.func @body(%arg0: i32, %arg1: memref<1024xi32, #tpu.memory_space<smem>>, %arg2: memref<1024xi32, #tpu.memory_space<smem>>, %arg3: memref<1000000x16xf32, #tpu.memory_space<hbm>>, %arg4: memref<1000000x16xf32, #tpu.memory_space<hbm>>, %arg5: memref<1024x16xf32, #tpu.memory_space<vmem>>, %arg6: memref<1024x16xf32, #tpu.memory_space<vmem>>, %arg7: memref<!tpu.dma_semaphore, #tpu.memory_space<semaphore_mem>>) attributes {dimension_semantics = [#tpu.dimension_semantics<arbitrary>], iteration_bounds = array<i64: 16>, scalar_prefetch = 0 : i64, scratch_operands = 1 : i64, tpu.core_type = #tpu.core_type<tc>, window_params = [{transform_indices = @transform_0, window_bounds = array<i64: 1024>}, {transform_indices = @transform_1, window_bounds = array<i64: 1024>}, {}, {}, {transform_indices = @transform_4, window_bounds = array<i64: 1024, 16>}, {transform_indices = @transform_5, window_bounds = array<i64: 1024, 16>}]} {
    %scan3A = arith.constant 0 : i32
    %scan3A_0 = arith.constant 1024 : i32
    %scan3A_1 = arith.addi %scan3A, %scan3A_0 : i32
    %scan3A_2 = arith.constant 1 : i32
    scf.for %scan3A_9 = %scan3A to %scan3A_1 step %scan3A_2  : i32 {
      %get3A = arith.index_cast %scan3A_9 : i32 to index
      %get3A_10 = memref.load %arg1[%get3A] : memref<1024xi32, #tpu.memory_space<smem>>
      %get3A_11 = arith.index_cast %scan3A_9 : i32 to index
      %get3A_12 = memref.load %arg2[%get3A_11] : memref<1024xi32, #tpu.memory_space<smem>>
      %dma_start3A = arith.constant 0 : i32
      %dma_start3A_13 = tpu.memref_slice %arg5[%scan3A_9, %dma_start3A] : memref<1024x16xf32, #tpu.memory_space<vmem>> -> memref<1x16xf32, #tpu.memory_space<vmem>>
      %dma_start3A_14 = tpu.memref_squeeze %dma_start3A_13 : memref<1x16xf32, #tpu.memory_space<vmem>> -> memref<16xf32, #tpu.memory_space<vmem>>
      %dma_start3A_15 = arith.constant 0 : i32
      %dma_start3A_16 = tpu.memref_slice %arg3[%get3A_10, %dma_start3A_15] : memref<1000000x16xf32, #tpu.memory_space<hbm>> -> memref<1x16xf32, #tpu.memory_space<hbm>>
      %dma_start3A_17 = tpu.memref_squeeze %dma_start3A_16 : memref<1x16xf32, #tpu.memory_space<hbm>> -> memref<16xf32, #tpu.memory_space<hbm>>
      tpu.enqueue_dma source(%dma_start3A_17 : memref<16xf32, #tpu.memory_space<hbm>>) target(%dma_start3A_14 : memref<16xf32, #tpu.memory_space<vmem>>) target_semaphore(%arg7 : memref<!tpu.dma_semaphore, #tpu.memory_space<semaphore_mem>>)
      %dma_start3A_18 = arith.constant 0 : i32
      %dma_start3A_19 = tpu.memref_slice %arg6[%scan3A_9, %dma_start3A_18] : memref<1024x16xf32, #tpu.memory_space<vmem>> -> memref<1x16xf32, #tpu.memory_space<vmem>>
      %dma_start3A_20 = tpu.memref_squeeze %dma_start3A_19 : memref<1x16xf32, #tpu.memory_space<vmem>> -> memref<16xf32, #tpu.memory_space<vmem>>
      %dma_start3A_21 = arith.constant 0 : i32
      %dma_start3A_22 = tpu.memref_slice %arg4[%get3A_12, %dma_start3A_21] : memref<1000000x16xf32, #tpu.memory_space<hbm>> -> memref<1x16xf32, #tpu.memory_space<hbm>>
      %dma_start3A_23 = tpu.memref_squeeze %dma_start3A_22 : memref<1x16xf32, #tpu.memory_space<hbm>> -> memref<16xf32, #tpu.memory_space<hbm>>
      tpu.enqueue_dma source(%dma_start3A_23 : memref<16xf32, #tpu.memory_space<hbm>>) target(%dma_start3A_20 : memref<16xf32, #tpu.memory_space<vmem>>) target_semaphore(%arg7 : memref<!tpu.dma_semaphore, #tpu.memory_space<semaphore_mem>>)
    }
    %scan3A_3 = arith.constant 1024 : i32
    %dma_wait3A = arith.constant 0 : i32
    %dma_wait3A_4 = arith.constant 0 : i32
    %dma_wait3A_5 = tpu.memref_slice %arg3[%dma_wait3A, %dma_wait3A_4] : memref<1000000x16xf32, #tpu.memory_space<hbm>> -> memref<1024x16xf32, #tpu.memory_space<hbm>>
    tpu.wait_dma2 semaphore(%arg7 : memref<!tpu.dma_semaphore, #tpu.memory_space<semaphore_mem>>) src(%dma_wait3A_5 : memref<1024x16xf32, #tpu.memory_space<hbm>>) dst(%arg5 : memref<1024x16xf32, #tpu.memory_space<vmem>>)
    %dma_wait3A_6 = arith.constant 0 : i32
    %dma_wait3A_7 = arith.constant 0 : i32
    %dma_wait3A_8 = tpu.memref_slice %arg4[%dma_wait3A_6, %dma_wait3A_7] : memref<1000000x16xf32, #tpu.memory_space<hbm>> -> memref<1024x16xf32, #tpu.memory_space<hbm>>
    tpu.wait_dma2 semaphore(%arg7 : memref<!tpu.dma_semaphore, #tpu.memory_space<semaphore_mem>>) src(%dma_wait3A_8 : memref<1024x16xf32, #tpu.memory_space<hbm>>) dst(%arg6 : memref<1024x16xf32, #tpu.memory_space<vmem>>)
    return
  }
  func.func @transform_0(%arg0: i32) -> i32 {
    %c0_i32 = arith.constant 0 : i32
    return %arg0 : i32
  }
  func.func @transform_1(%arg0: i32) -> i32 {
    %c0_i32 = arith.constant 0 : i32
    return %arg0 : i32
  }
  func.func @transform_4(%arg0: i32) -> (i32, i32) {
    %c0_i32 = arith.constant 0 : i32
    %c0_i32_0 = arith.constant 0 : i32
    return %arg0, %c0_i32 : i32, i32
  }
  func.func @transform_5(%arg0: i32) -> (i32, i32) {
    %c0_i32 = arith.constant 0 : i32
    %c0_i32_0 = arith.constant 0 : i32
    return %arg0, %c0_i32 : i32, i32
  }
}

</mosaic_0001>

<sc_bundles>
// kernel: kernel.5.cloned.1.call-start
scs
__scs_entry_jumppad:
0x0: {  	(pc) =	sbr.rel $0x88, $3  }
0x1: {  	(tag) =	ssettag $0x0;
	lr =	simm.s32 $0x1  }
0x2: {  	[smem:$0x3F94] =	sst lr;
	_ =	strace $0xD0000000  }
0x3: {  	_ = 	snop  }
0x4: {  	_ = 	snop  }
0x5: {  	_ = 	snop  }
0x6: {  	_ = 	snop  }
0x7: {  	_ = 	snop  }
__scs_overlays_trampoline_lowered:
0x8: {  	[smem:$0x3FA3] =	sst s0  }
0x9: {  	[smem:$0x3FA4] =	sst s1  }
0xa: {  	[smem:$0x3FA5] =	sst s2  }
0xb: {  	[smem:$0x3FA6] =	sst s3  }
0xc: {  	[smem:$0x3FA7] =	sst s4  }
0xd: {  	[smem:$0x3FA8] =	sst s5  }
0xe: {  	[smem:$0x3FA9] =	sst s6  }
0xf: {  	[smem:$0x3FAA] =	sst s7  }
0x10: {  	[smem:$0x3FAB] =	sst s8  }
0x11: {  	[smem:$0x3FAC] =	sst s9;
	s0 =	simm.s32 @!p0 $0x0  }
0x12: {  	s1 =	sld [smem:$0x3F92];
	s0 =	simm.s32 @p0 $0x1  }
0x13: {  	[smem:$0x3FAD] =	sst s0;
	s0 =	simm.s32 @!p1 $0x0  }
0x14: {  	s2 =	sld [smem:$0x3F91];
	s0 =	simm.s32 @p1 $0x1  }
0x15: {  	[smem:$0x3FAE] =	sst s0;
	s0 =	simm.s32 @!p2 $0x0  }
0x16: {  	s3 =	sld [smem:$0x3FDB];
	s0 =	simm.s32 @p2 $0x1  }
0x17: {  	s4 =	simm.s32 $0x1BF5;
	[smem:$0x3FB0] =	sst s0  }
0x18: {  	s0 =	sld [smem:$0x3F93];
	_ =	swait.ge [sflag:s4], $0x0  }
0x19: {  	s7 =	sld [smem:$0x3F94]  }
0x1a: {  	s8 =	sadd.s32 $0xFFFFE003, lr  }
0x1b: {  	s9 =	sadd.s32 $0xFFFFFEF7, lr;
	s5 =	simm.s32 $0xFFFFFFFF;
	p2 =	slt.u32 s8, $0xFFFFF086  }
0x1c: {  	p1 =	slt.u32 s9, $0xF7A;
	s5 =	simm.s32 @!p2 $0x0  }
0x1d: {  	s5 =	simm.s32 @p1 $0x1;
	p0 =	seq.s32 s7, s2  }
0x1e: {  	s7 =	smul.u32 @!p0 $0xF7A, s2;
	p2 =	seq.s32 @!p0 s5, $0x0  }
0x1f: {  	s9 =	smul.u32 $0xF7A, s1;
	s8 =	simm.s32 @!p0 $0x1BF5;
	p2 =	por !p2, p0  }
0x20: {  	[sflag:s8] =	ssyncset.s32 @!p0 $0xFFFFF086;
	s6 =	sadd.s32 @!p0 s3, s7;
	s7 =	simm.s32 @!p0 $0x108  }
0x21: {  	s3 =	sadd.s32 s3, s9;
	s6 =	sadd.s32 @!p0 $0x88, s6;
	s7 =	simm.s32 @p2 $0x1082  }
0x22: {  	[simem:s7], [sflag:s8] =	dma.local @!p0 [hbm:s6], $0xF7A  }
0x23: {  	s9 =	sor.u32 $0xD0000000, s2;
	s6 =	simm.s32 $0x108;
	_ =	swait.ge @!p0 [sflag:s8], $0x0  }
0x24: {  	s3 =	sadd.s32 $0x88, s3;
	s6 =	simm.s32 @!p1 $0x1082;
	[sflag:s4] =	ssyncset.s32 $0xFFFFF086  }
0x25: {  	[simem:s6], [sflag:s4] =	dma.local [hbm:s3], $0xF7A  }
0x26: {  	[smem:$0x3F94] =	sst s1;
	(tag) =	ssettag s2;
	_ =	strace s9  }
0x27: {  	s1 =	sld [smem:$0x3FA4]  }
0x28: {  	s2 =	sld [smem:$0x3FA5]  }
0x29: {  	s4 =	sld [smem:$0x3FA7]  }
0x2a: {  	p0 =	seq.s32 s5, $0x0;
	s5 =	sld [smem:$0x3FA8]  }
0x2b: {  	s6 =	sld [smem:$0x3FA9]  }
0x2c: {  	s7 =	sld [smem:$0x3FAA]  }
0x2d: {  	s3 =	simm.s32 $0x108;
	s8 =	sld [smem:$0x3FAB]  }
0x2e: {  	s3 =	simm.s32 @!p0 $0x1082;
	s9 =	sld [smem:$0x3FAC]  }
0x2f: {  	lr =	sadd.s32 s0, s3;
	s0 =	sld [smem:$0x3FA3]  }
0x30: {  	s3 =	sld [smem:$0x3FA6]  }
0x31: {  	[smem:$0x3FAF] =	sst s10  }
0x32: {  	s10 =	sld [smem:$0x3FAD];
	_ =	sdelay $0x3  }
0x33: {  	p0 =	seq.s32 s10, $0x1;
	s10 =	sld [smem:$0x3FAF];
	_ =	sdelay $0x3  }
0x34: {  	[smem:$0x3FAF] =	sst s10  }
0x35: {  	s10 =	sld [smem:$0x3FAE];
	_ =	sdelay $0x3  }
0x36: {  	p1 =	seq.s32 s10, $0x1;
	s10 =	sld [smem:$0x3FAF];
	_ =	sdelay $0x3  }
0x37: {  	[smem:$0x3FAF] =	sst s10  }
0x38: {  	s10 =	sld [smem:$0x3FB0]  }
0x39: {  	_ = 	snop;
	(pc) =	sbr.ind lr, $3  }
0x3a: {  	_ = 	snop  }
0x3b: {  	_ = 	snop  }
0x3c: {  	p2 =	seq.s32 s10, $0x1;
	s10 =	sld [smem:$0x3FAF]  }
0x3d: {  	_ =	shalt  }
0x3e: {  	_ =	shalt  }
0x3f: {  	_ =	shalt  }
0x40: {  	_ =	shalt  }
0x41: {  	_ =	shalt  }
0x42: {  	_ =	shalt  }
0x43: {  	_ =	shalt  }
0x44: {  	_ =	shalt  }
0x45: {  	_ =	shalt  }
0x46: {  	_ =	shalt  }
0x47: {  	_ =	shalt  }
0x48: {  	_ =	shalt  }
0x49: {  	_ =	shalt  }
0x4a: {  	_ =	shalt  }
0x4b: {  	_ =	shalt  }
0x4c: {  	_ =	shalt  }
0x4d: {  	_ =	shalt  }
0x4e: {  	_ =	shalt  }
0x4f: {  	_ =	shalt  }
0x50: {  	_ =	shalt  }
0x51: {  	_ =	shalt  }
0x52: {  	_ =	shalt  }
0x53: {  	_ =	shalt  }
0x54: {  	_ =	shalt  }
0x55: {  	_ =	shalt  }
0x56: {  	_ =	shalt  }
0x57: {  	_ =	shalt  }
0x58: {  	_ =	shalt  }
0x59: {  	_ =	shalt  }
0x5a: {  	_ =	shalt  }
0x5b: {  	_ =	shalt  }
0x5c: {  	_ =	shalt  }
0x5d: {  	_ =	shalt  }
0x5e: {  	_ =	shalt  }
0x5f: {  	_ =	shalt  }
0x60: {  	_ =	shalt  }
0x61: {  	_ =	shalt  }
0x62: {  	_ =	shalt  }
0x63: {  	_ =	shalt  }
0x64: {  	_ =	shalt  }
0x65: {  	_ =	shalt  }
0x66: {  	_ =	shalt  }
0x67: {  	_ =	shalt  }
0x68: {  	_ =	shalt  }
0x69: {  	_ =	shalt  }
0x6a: {  	_ =	shalt  }
0x6b: {  	_ =	shalt  }
0x6c: {  	_ =	shalt  }
0x6d: {  	_ =	shalt  }
0x6e: {  	_ =	shalt  }
0x6f: {  	_ =	shalt  }
0x70: {  	_ =	shalt  }
0x71: {  	_ =	shalt  }
0x72: {  	_ =	shalt  }
0x73: {  	_ =	shalt  }
0x74: {  	_ =	shalt  }
0x75: {  	_ =	shalt  }
0x76: {  	_ =	shalt  }
0x77: {  	_ =	shalt  }
0x78: {  	_ =	shalt  }
0x79: {  	_ =	shalt  }
0x7a: {  	_ =	shalt  }
0x7b: {  	_ =	shalt  }
0x7c: {  	_ =	shalt  }
0x7d: {  	_ =	shalt  }
0x7e: {  	_ =	shalt  }
0x7f: {  	_ =	shalt  }
0x80: {  	_ =	shalt  }
0x81: {  	_ =	shalt  }
0x82: {  	_ =	shalt  }
0x83: {  	_ =	shalt  }
0x84: {  	_ =	shalt  }
0x85: {  	_ =	shalt  }
0x86: {  	_ =	shalt  }
0x87: {  	_ =	shalt  }
.Lfunc_end0:
.L_simem_size_0:
called_computation_lowered:
.L_overlay_start_0:
0x88: {  	s2 =	sld [smem:$0x3FD9]  }
0x89: {  	s3 =	sld [smem:$0x3FFE];
	_ =	sdelay $0x1  }
0x8a: {  	s1 =	srdreg.scid  }
0x8b: {  	s0 =	sand.u32 $0x1, s1  }
0x8c: {  	s17 =	sshll.u32 s0, $0xA;
	s2 =	sadd.s32 s3, s2  }
0x8d: {  	s2 =	sadd.s32 s2, s17  }
0x8e: {  	[smem:$0x3FBB] =	sst s2  }
0x8f: {  	_ = 	snop  }
0x90: {  	s2 =	sld [smem:$0x3FC9]  }
0x91: {  	s18 =	sld [smem:$0x3FC8];
	(tm) =	ssettm $0x1  }
0x92: {  	s4 =	sld [smem:$0x3FFB];
	_ =	sdelay $0x3  }
0x93: {  	_ =	strace s4  }
0x94: {  	s4 =	sld [smem:$0x3FFC];
	_ =	sdelay $0x3  }
0x95: {  	_ =	strace s4  }
0x96: {  	s4 =	sld [smem:$0x3FFD];
	_ =	sdelay $0x3  }
0x97: {  	_ =	strace s4  }
0x98: {  	_ =	strace $0x8FFFFFFF  }
0x99: {  	s19 =	sld [smem:$0x3FDB];
	_ =	sdelay $0x1  }
0x9a: {  	s5 =	simm.s32 $_scs_section_size  }
0x9b: {  	s6 =	simm.s32 $_size__tile_overlayer_lowered;
	s7 =	simm.s32 $_tile_overlayer_lowered  }
0x9c: {  	s22 =	simm.s32 $0x1BFF;
	s21 =	sshll.u32 s7, $0x1;
	s4 =	sadd.s32 s5, s19  }
0x9d: {  	s8 =	simm.s32 $0x0;
	s20 =	sshll.u32 s6, $0x1;
	s6 =	sadd.s32 s21, s4  }
0x9e: {  	[timem:s8], [sflag:s22] =	dma.local [hbm:s6], s20  }
0x9f: {  	_ =	swait.ge [sflag:s22], s20  }
0xa0: {  	s5 =	ssub.s32 $0x0, s20;
	[sflag:s22] =	ssyncset.done $0x0  }
0xa1: {  	[sflag:s22] =	ssyncadd.s32 s5;
	_ =	sdelay $0x1  }
0xa2: {  	s23 =	simm.s32 $0x1B8B  }
0xa3: {  	_ =	swait.ge [sflag:s23], $0x1  }
0xa4: {  	[sflag:s23] =	ssyncset.done $0x0  }
0xa5: {  	s25 =	simm.s32 $0x1B8E;
	s24 =	sld [smem:$0x3FFE];
	[sflag:s23] =	ssyncadd.s32 $0xFFFFFFFF  }
0xa6: {  	s26 =	simm.s32 $execute0_lowered;
	[smem:$0x3FD2] =	sst s25  }
0xa7: {  	s6 =	sshll.u32 s26, $0x1;
	_ =	strace $0x80000046;
	[dreg:$0x1] =	wrdreg $0xFFFFFFFF  }
0xa8: {  	s28 =	simm.s32 $_size_execute0_lowered;
	s4 =	sadd.s32 s4, s6;
	[dreg:$0x0] =	wrdreg $0x0  }
0xa9: {  	s6 =	sshll.u32 s28, $0x1;
	[dreg:$0x2] =	wrdreg s4  }
0xaa: {  	[dreg:$0x3] =	wrdreg s6  }
0xab: {  	[dreg:$0x4] =	wrdreg $0xC0  }
0xac: {  	_ =	task [dreg:s8], $0x5FFFF  }
0xad: {  	[dreg:$0x1] =	wrdreg $0xFFFFFFFF  }
0xae: {  	[dreg:$0x0] =	wrdreg $0x60  }
0xaf: {  	[dreg:$0x2] =	wrdreg s2  }
0xb0: {  	[dreg:$0x3] =	wrdreg s18  }
0xb1: {  	[dreg:$0x4] =	wrdreg s24  }
0xb2: {  	[dreg:$0x5] =	wrdreg $0x9  }
0xb3: {  	_ =	task.clear_ibuf [dreg:s8], $0x6FFFF;
	_ =	strace $0x90000046  }
0xb4: {  	s29 =	simm.s32 $0x9;
	_ =	strace $0x80000048  }
0xb5: {  	_ =	swait.ge [sflag:s29], $0x1  }
0xb6: {  	[sflag:s29] =	ssyncadd.s32 $0xFFFFFFFF  }
0xb7: {  	_ =	strace $0x90000048  }
0xb8: {  	_ =	sfence  }
0xb9: {  	s30 =	sld [smem:$0x0];
	_ =	sdelay $0x2  }
0xba: {  	s31 =	sshll.u32 s1, $0xD;
	s1 =	sshrl.u32 s1, $0x2  }
0xbb: {  	s3 =	sand.u32 $0x4000, s31;
	s1 =	sadd.s32 s1, s30  }
0xbc: {  	s0 =	sor.u32 s3, s0;
	s1 =	sshll.u32 s1, $0x11  }
0xbd: {  	s0 =	sor.u32 s1, s0  }
0xbe: {  	s0 =	sadd.s32 $0x8F2B, s0  }
0xbf: {  	[sflag:s0] =	ssyncadd.remote.s32 $0x1  }
0xc0: {  	_ =	sfence.sel $0xFFFF  }
0xc1: {  	[dreg:$0x0] =	wrdreg $0xFFFFFFFF;
	(pc) =	sbr.abs _section_cstart, $3  }
0xc2: {  	[dreg:$0x1] =	wrdreg $0xFFFFFFFF  }
0xc3: {  	_ =	task.clear_ibuf [dreg:s8], $0x2FFFF;
	_ =	strace $0x9FFFFFFF  }
0xc4: {  	(tm) =	ssettm $0x7FFFFFFF  }
0xc5: {  	_ =	shalt  }
tec
execute0_lowered:
.L_overlay_start_1:
0x0: {  	(tag) =	ssettag $0x1  }
0x1: {  	s0 =	rddreg [dreg:$0x0]  }
0x2: {  	s2 =	rddreg [dreg:$0x1]  }
0x3: {  	s5 =	rddreg [dreg:$0x2]  }
0x4: {  	s1 =	simm.s32 $0x0;
	s6 =	srdreg.scid;
	s8 =	stileid.u32  }
0x5: {  	[smem:$0x7FF] =	sst s1;
	s3 =	sadd.s32 $0x2600, s5;
	s4 =	sadd.s32 $0xF44A00, s5  }
0x6: {  	s6 =	sand.u32 $0x1, s6;
	s8 =	sshll.u32 s8, $0xA;
	s9 =	sadd.s32 $0x1E86E00, s5  }
0x7: {  	s5 =	sadd.s32 $0x1EC6E00, s5;
	s7 =	ssub.s32 $0x2, s6;
	s6 =	sshll.u32 s6, $0x9  }
0x8: {  	_ =	strace $0x80000047;
	[dreg:$0xd] =	wrdreg s9;
	s6 =	sor.u32 s6, s8  }
0x9: {  	[dreg:$0xe] =	wrdreg s5;
	s28 =	sshrl.u32 s6, $0x3;
	s30 =	sshll.u32 s6, $0x4  }
0xa: {  	s25 =	sshrl.u32 s7, $0x1;
	s0 =	sadd.s32 s0, s28;
	[dreg:$0x11] =	wrdreg s30  }
0xb: {  	s26 =	ssub.s32 s7, s25;
	s29 =	sadd.s32 s2, s28;
	[dreg:$0xf] =	wrdreg s0  }
0xc: {  	s31 =	smax.u32 s26, $0x1;
	[dreg:$0x10] =	wrdreg s29  }
0xd: {  	s2 =	simm.s32 $0x0;
	[dreg:$0x12] =	wrdreg s31  }
.LBB2_1:
0xe: {  	[dreg:$0x13] =	wrdreg s2  }
0xf: {  	s0 =	rddreg [dreg:$0xf];
	s30 =	simm.s32 $0x2  }
0x10: {  	[tilespmem:s1], [sflag:$0x2] =	stream.linear.gather [hbm4b:s0+s1], $0x200, $0x38;
	[tilespmem:$0x8400] =	vst v63  }
0x11: {  	_ =	swait.ge [sflag:s30], $0x200  }
0x12: {  	[sflag:s30] =	ssyncset.done $0x0  }
0x13: {  	s13 =	simm.s32 $0x200;
	s31 =	rddreg [dreg:$0x10];
	[sflag:s30] =	ssyncadd.s32 $0xFFFFFE00  }
0x14: {  	[tilespmem:s13], [sflag:$0x2] =	stream.linear.gather [hbm4b:s31+s1], $0x200, $0x38;
	[tilespmem:$0x8400] =	vst v63  }
0x15: {  	_ =	swait.ge [sflag:s30], $0x200  }
0x16: {  	[sflag:s30] =	ssyncset.done $0x0  }
0x17: {  	s14 =	simm.s32 $0x0;
	s6 =	simm.s32 $0x0;
	[sflag:s30] =	ssyncadd.s32 $0xFFFFFE00  }
.LBB2_2:
0x18: {  	v0 =	vld [tilespmem:s14+$0x0]  }
0x19: {  	v2 =	vld [tilespmem:s13+$0x0];
	_ =	sdelay $0x3  }
0x1a: {  	v1 =	vshll.u32 v0, $0x4  }
0x1b: {  	v63 =	vshll.u32 v2, $0x4;
	(v2sf) =	vpush v1, $0x0  }
0x1c: {  	(v2sf) =	vpush v63, $0x0  }
0x1d: {  	(v2sf) =	vpush v1, $0x1;
	_ =	sdelay $0x1  }
0x1e: {  	(v2sf) =	vpush v63, $0x1;
	_ =	sdelay $0x3  }
0x1f: {  	(v2sf) =	vpush v1, $0x2;
	_ =	sdelay $0x1  }
0x20: {  	[dreg:$0x16] =	wrdreg s6;
	(v2sf) =	vpush v63, $0x2  }
0x21: {  	s20 =	simm.s32 $0x2000;
	s19 =	simm.s32 $0x0;
	s2 =	simm.s32 $0x4400;
	(v2sf) =	vpush v1, $0x3  }
0x22: {  	s5 =	simm.s32 $0x680;
	s6 =	simm.s32 $0x880;
	s7 =	simm.s32 $0x400  }
0x23: {  	s9 =	simm.s32 $0x600;
	s0 =	simm.s32 $0x4900;
	s10 =	simm.s32 $0x580  }
0x24: {  	s26 =	simm.s32 $0x480;
	s15 =	simm.s32 $0x500;
	s18 =	simm.s32 $0x4500  }
0x25: {  	s29 =	simm.s32 $0xA00;
	[dreg:$0x14] =	wrdreg s13;
	s8 =	spop (v2sf);
	(v2sf) =	vpush v63, $0x3  }
0x26: {  	[dreg:$0x15] =	wrdreg s14;
	s8 =	sand.u32 $0x1FFFFFF0, s8;
	s11 =	spop (v2sf)  }
0x27: {  	(v2sf) =	vpush v1, $0x4;
	s8 =	sadd.s32 s3, s8;
	s24 =	sand.u32 $0x1FFFFFF0, s11;
	s25 =	spop (v2sf)  }
0x28: {  	[tilespmem:s7], [sflag:$0x1] =	stream.linear.gather [hbm4b:s8+s1], $0x80, $0x38;
	[tilespmem:$0x8400] =	vst v63  }
0x29: {  	s8 =	sadd.s32 s4, s24;
	s11 =	sand.u32 $0x1FFFFFF0, s25;
	s12 =	spop (v2sf)  }
0x2a: {  	(v2sf) =	vpush v63, $0x4;
	[tilespmem:s2], [sflag:$0x1] =	stream.linear.gather [hbm4b:s8+s1], $0x80, $0x38;
	[tilespmem:$0x8400] =	vst v63  }
0x2b: {  	s28 =	simm.s32 $0xB00;
	(v2sf) =	vpush v1, $0x5;
	s30 =	sadd.s32 s3, s11;
	s31 =	sand.u32 $0x1FFFFFF0, s12  }
0x2c: {  	[tilespmem:s26], [sflag:$0x1] =	stream.linear.gather [hbm4b:s30+s1], $0x80, $0x38;
	[tilespmem:$0x8400] =	vst v63  }
0x2d: {  	s12 =	spop (v2sf);
	(v2sf) =	vpush v63, $0x5;
	s8 =	simm.s32 $0x4480;
	s11 =	sadd.s32 s4, s31  }
0x2e: {  	(v2sf) =	vpush v1, $0x6;
	[tilespmem:s8], [sflag:$0x1] =	stream.linear.gather [hbm4b:s11+s1], $0x80, $0x38;
	[tilespmem:$0x8400] =	vst v63  }
0x2f: {  	s7 =	simm.s32 $0x4580;
	s16 =	spop (v2sf);
	s8 =	sand.u32 $0x1FFFFFF0, s12  }
0x30: {  	s17 =	spop (v2sf);
	s11 =	sand.u32 $0x1FFFFFF0, s16;
	s8 =	sadd.s32 s3, s8  }
0x31: {  	[tilespmem:s15], [sflag:$0x1] =	stream.linear.gather [hbm4b:s8+s1], $0x80, $0x38;
	[tilespmem:$0x8400] =	vst v63  }
0x32: {  	s24 =	simm.s32 $0x4600;
	(v2sf) =	vpush v63, $0x6;
	s22 =	sand.u32 $0x1FFFFFF0, s17;
	s21 =	sadd.s32 s4, s11  }
0x33: {  	[tilespmem:s18], [sflag:$0x1] =	stream.linear.gather [hbm4b:s21+s1], $0x80, $0x38;
	[tilespmem:$0x8400] =	vst v63  }
0x34: {  	s2 =	simm.s32 $0x4680;
	s11 =	sadd.s32 s3, s22;
	s23 =	spop (v2sf)  }
0x35: {  	[tilespmem:s10], [sflag:$0x1] =	stream.linear.gather [hbm4b:s11+s1], $0x80, $0x38;
	[tilespmem:$0x8400] =	vst v63  }
0x36: {  	s17 =	simm.s32 $0x700;
	(v2sf) =	vpush v1, $0x7;
	s8 =	sand.u32 $0x1FFFFFF0, s23;
	s25 =	spop (v2sf)  }
0x37: {  	s16 =	simm.s32 $0xA80;
	s8 =	sadd.s32 s4, s8;
	s11 =	sand.u32 $0x1FFFFFF0, s25  }
0x38: {  	[tilespmem:s7], [sflag:$0x1] =	stream.linear.gather [hbm4b:s8+s1], $0x80, $0x38;
	[tilespmem:$0x8400] =	vst v63  }
0x39: {  	s15 =	simm.s32 $0x4A00;
	(v2sf) =	vpush v63, $0x7;
	s26 =	spop (v2sf);
	s30 =	sadd.s32 s3, s11  }
0x3a: {  	(v2sf) =	vpush v1, $0x8;
	s31 =	sand.u32 $0x1FFFFFF0, s26;
	s12 =	spop (v2sf);
	s26 =	simm.s32 $0x4700  }
0x3b: {  	[tilespmem:s9], [sflag:$0x1] =	stream.linear.gather [hbm4b:s30+s1], $0x80, $0x38;
	[tilespmem:$0x8400] =	vst v63  }
0x3c: {  	(v2sf) =	vpush v63, $0x8;
	s8 =	sadd.s32 s4, s31;
	s18 =	spop (v2sf);
	s9 =	sand.u32 $0x1FFFFFF0, s12  }
0x3d: {  	s10 =	sand.u32 $0x1FFFFFF0, s18;
	s21 =	spop (v2sf);
	s12 =	simm.s32 $0x4780  }
0x3e: {  	(v2sf) =	vpush v1, $0x9;
	[tilespmem:s24], [sflag:$0x1] =	stream.linear.gather [hbm4b:s8+s1], $0x80, $0x38;
	[tilespmem:$0x8400] =	vst v63  }
0x3f: {  	s18 =	simm.s32 $0x800;
	s9 =	sadd.s32 s3, s9;
	s22 =	sadd.s32 s4, s10  }
0x40: {  	(v2sf) =	vpush v63, $0x9;
	[tilespmem:s5], [sflag:$0x1] =	stream.linear.gather [hbm4b:s9+s1], $0x80, $0x38;
	[tilespmem:$0x8400] =	vst v63  }
0x41: {  	s23 =	sand.u32 $0x1FFFFFF0, s21;
	s10 =	simm.s32 $0x4A80;
	s24 =	spop (v2sf)  }
0x42: {  	(v2sf) =	vpush v1, $0xA;
	[tilespmem:s2], [sflag:$0x1] =	stream.linear.gather [hbm4b:s22+s1], $0x80, $0x38;
	[tilespmem:$0x8400] =	vst v63  }
0x43: {  	s25 =	sadd.s32 s3, s23;
	s8 =	simm.s32 $0x780;
	s7 =	sand.u32 $0x1FFFFFF0, s24  }
0x44: {  	(v2sf) =	vpush v63, $0xA;
	[tilespmem:s17], [sflag:$0x1] =	stream.linear.gather [hbm4b:s25+s1], $0x80, $0x38;
	[tilespmem:$0x8400] =	vst v63  }
0x45: {  	s23 =	simm.s32 $0x4800;
	s7 =	sadd.s32 s4, s7;
	s30 =	spop (v2sf)  }
0x46: {  	(v2sf) =	vpush v1, $0xB;
	[tilespmem:s26], [sflag:$0x1] =	stream.linear.gather [hbm4b:s7+s1], $0x80, $0x38;
	[tilespmem:$0x8400] =	vst v63  }
0x47: {  	s5 =	simm.s32 $0x4980;
	s26 =	simm.s32 $0x4880;
	s9 =	sand.u32 $0x1FFFFFF0, s30  }
0x48: {  	s7 =	simm.s32 $0x4B00;
	s31 =	spop (v2sf);
	(v2sf) =	vpush v63, $0xB;
	s9 =	sadd.s32 s3, s9  }
0x49: {  	s11 =	sand.u32 $0x1FFFFFF0, s31;
	s17 =	spop (v2sf);
	s31 =	simm.s32 $0x900  }
0x4a: {  	[tilespmem:s8], [sflag:$0x1] =	stream.linear.gather [hbm4b:s9+s1], $0x80, $0x38;
	[tilespmem:$0x8400] =	vst v63  }
0x4b: {  	s9 =	sadd.s32 s4, s11;
	s8 =	sand.u32 $0x1FFFFFF0, s17;
	s21 =	spop (v2sf)  }
0x4c: {  	(v2sf) =	vpush v1, $0xC;
	[tilespmem:s12], [sflag:$0x1] =	stream.linear.gather [hbm4b:s9+s1], $0x80, $0x38;
	[tilespmem:$0x8400] =	vst v63  }
0x4d: {  	s8 =	sadd.s32 s3, s8;
	s22 =	spop (v2sf);
	s9 =	sand.u32 $0x1FFFFFF0, s21  }
0x4e: {  	(v2sf) =	vpush v63, $0xC;
	[tilespmem:s18], [sflag:$0x1] =	stream.linear.gather [hbm4b:s8+s1], $0x80, $0x38;
	[tilespmem:$0x8400] =	vst v63  }
0x4f: {  	s25 =	sand.u32 $0x1FFFFFF0, s22;
	s30 =	spop (v2sf);
	s24 =	sadd.s32 s4, s9  }
0x50: {  	[tilespmem:s23], [sflag:$0x1] =	stream.linear.gather [hbm4b:s24+s1], $0x80, $0x38;
	[tilespmem:$0x8400] =	vst v63  }
0x51: {  	s9 =	sadd.s32 s3, s25;
	s2 =	spop (v2sf);
	s8 =	sand.u32 $0x1FFFFFF0, s30  }
0x52: {  	[tilespmem:s6], [sflag:$0x1] =	stream.linear.gather [hbm4b:s9+s1], $0x80, $0x38;
	[tilespmem:$0x8400] =	vst v63  }
0x53: {  	s11 =	spop (v2sf);
	s8 =	sadd.s32 s4, s8;
	s9 =	sand.u32 $0x1FFFFFF0, s2  }
0x54: {  	[tilespmem:s26], [sflag:$0x1] =	stream.linear.gather [hbm4b:s8+s1], $0x80, $0x38;
	[tilespmem:$0x8400] =	vst v63  }
0x55: {  	s17 =	sand.u32 $0x1FFFFFF0, s11;
	s12 =	sadd.s32 s3, s9;
	s18 =	spop (v2sf)  }
0x56: {  	[tilespmem:s31], [sflag:$0x1] =	stream.linear.gather [hbm4b:s12+s1], $0x80, $0x38;
	[tilespmem:$0x8400] =	vst v63  }
0x57: {  	s21 =	sadd.s32 s4, s17;
	s22 =	sand.u32 $0x1FFFFFF0, s18;
	s23 =	spop (v2sf)  }
0x58: {  	(v2sf) =	vpush v1, $0xD;
	[tilespmem:s0], [sflag:$0x1] =	stream.linear.gather [hbm4b:s21+s1], $0x80, $0x38;
	[tilespmem:$0x8400] =	vst v63  }
0x59: {  	s24 =	simm.s32 $0x980;
	(v2sf) =	vpush v63, $0xD;
	s25 =	sadd.s32 s3, s22;
	s26 =	sand.u32 $0x1FFFFFF0, s23  }
0x5a: {  	(v2sf) =	vpush v1, $0xE;
	[tilespmem:s24], [sflag:$0x1] =	stream.linear.gather [hbm4b:s25+s1], $0x80, $0x38;
	[tilespmem:$0x8400] =	vst v63  }
0x5b: {  	s30 =	sadd.s32 s4, s26;
	(v2sf) =	vpush v63, $0xE;
	s31 =	spop (v2sf);
	s24 =	sadd.s32 $0x10, s13  }
0x5c: {  	(v2sf) =	vpush v1, $0xF;
	[tilespmem:s5], [sflag:$0x1] =	stream.linear.gather [hbm4b:s30+s1], $0x80, $0x38;
	[tilespmem:$0x8400] =	vst v63  }
0x5d: {  	s25 =	sadd.s32 $0x10, s14;
	s0 =	sand.u32 $0x1FFFFFF0, s31;
	(v2sf) =	vpush v63, $0xF;
	s5 =	spop (v2sf)  }
.LBB2_3:
0x5e: {  	_ =	sdelay $0x4  }
0x5f: {  	s0 =	sadd.s32 s3, s0;
	s5 =	sand.u32 $0x1FFFFFF0, s5  }
0x60: {  	[tilespmem:s29], [sflag:$0x1] =	stream.linear.gather [hbm4b:s0+s1], $0x80, $0x38;
	[tilespmem:$0x8400] =	vst v63  }
0x61: {  	s9 =	sadd.s32 s4, s5  }
0x62: {  	[tilespmem:s15], [sflag:$0x1] =	stream.linear.gather [hbm4b:s9+s1], $0x80, $0x38;
	[tilespmem:$0x8400] =	vst v63  }
0x63: {  	s6 =	spop (v2sf)  }
0x64: {  	s11 =	sand.u32 $0x1FFFFFF0, s6;
	s12 =	spop (v2sf)  }
0x65: {  	s13 =	sadd.s32 s3, s11;
	s2 =	sand.u32 $0x1FFFFFF0, s12;
	s14 =	spop (v2sf)  }
0x66: {  	[tilespmem:s16], [sflag:$0x1] =	stream.linear.gather [hbm4b:s13+s1], $0x80, $0x38;
	[tilespmem:$0x8400] =	vst v63  }
0x67: {  	s15 =	sadd.s32 s4, s2;
	s16 =	sand.u32 $0x1FFFFFF0, s14;
	s17 =	spop (v2sf)  }
0x68: {  	[tilespmem:s10], [sflag:$0x1] =	stream.linear.gather [hbm4b:s15+s1], $0x80, $0x38;
	[tilespmem:$0x8400] =	vst v63  }
0x69: {  	s18 =	sadd.s32 s3, s16;
	s21 =	sand.u32 $0x1FFFFFF0, s17;
	s22 =	spop (v2sf)  }
0x6a: {  	[tilespmem:s28], [sflag:$0x1] =	stream.linear.gather [hbm4b:s18+s1], $0x80, $0x38;
	[tilespmem:$0x8400] =	vst v63  }
0x6b: {  	s23 =	sadd.s32 s4, s21;
	s26 =	sand.u32 $0x1FFFFFF0, s22;
	s30 =	spop (v2sf)  }
0x6c: {  	[tilespmem:s7], [sflag:$0x1] =	stream.linear.gather [hbm4b:s23+s1], $0x80, $0x38;
	[tilespmem:$0x8400] =	vst v63  }
0x6d: {  	s31 =	sadd.s32 $0xB80, s19;
	s2 =	sadd.s32 s3, s26;
	s5 =	sand.u32 $0x1FFFFFF0, s30  }
0x6e: {  	[tilespmem:s31], [sflag:$0x1] =	stream.linear.gather [hbm4b:s2+s1], $0x80, $0x38;
	[tilespmem:$0x8400] =	vst v63  }
0x6f: {  	s6 =	sadd.s32 $0x4B80, s19;
	s7 =	sadd.s32 s4, s5  }
0x70: {  	[tilespmem:s6], [sflag:$0x1] =	stream.linear.gather [hbm4b:s7+s1], $0x80, $0x38;
	[tilespmem:$0x8400] =	vst v63  }
0x71: {  	v0 =	vld [tilespmem:s25+$0x0]  }
0x72: {  	v2 =	vld [tilespmem:s24+$0x0];
	_ =	sdelay $0x3  }
0x73: {  	v1 =	vshll.u32 v0, $0x4  }
0x74: {  	v63 =	vshll.u32 v2, $0x4;
	(v2sf) =	vpush v1, $0x0  }
0x75: {  	s8 =	smov.u32 s20;
	(v2sf) =	vpush v63, $0x0  }
0x76: {  	s19 =	sshra.s32 s8, $0x2;
	(v2sf) =	vpush v1, $0x1  }
0x77: {  	p0 =	sne.s32 s20, $0xE000;
	s20 =	sadd.s32 $0x2000, s20;
	s0 =	sadd.s32 $0x680, s19  }
0x78: {  	s9 =	sadd.s32 $0x880, s19;
	s11 =	sadd.s32 $0x600, s19;
	[dreg:$0xc] =	wrdreg s0;
	(v2sf) =	vpush v63, $0x1  }
0x79: {  	s12 =	sadd.s32 $0x4A00, s19;
	s29 =	sadd.s32 $0xA00, s19;
	[dreg:$0x6] =	wrdreg s9  }
0x7a: {  	[dreg:$0x9] =	wrdreg s12;
	s0 =	sadd.s32 $0x4500, s19;
	s12 =	sadd.s32 $0x4680, s19;
	(v2sf) =	vpush v1, $0x2  }
0x7b: {  	s9 =	sadd.s32 $0x700, s19;
	s13 =	sadd.s32 $0x4980, s19;
	s14 =	sadd.s32 $0x4880, s19;
	(v2sf) =	vpush v63, $0x2  }
0x7c: {  	s17 =	sadd.s32 $0x4580, s19;
	s16 =	sadd.s32 $0xA80, s19;
	[dreg:$0x5] =	wrdreg s13  }
0x7d: {  	s13 =	sadd.s32 $0x4700, s19;
	[dreg:$0x8] =	wrdreg s14;
	s10 =	sadd.s32 $0x4900, s19;
	(v2sf) =	vpush v1, $0x3  }
0x7e: {  	s14 =	sadd.s32 $0x780, s19;
	s15 =	sadd.s32 $0x900, s19;
	[dreg:$0x4] =	wrdreg s10  }
0x7f: {  	s21 =	sadd.s32 $0x500, s19;
	s22 =	sadd.s32 $0x4800, s19;
	[dreg:$0x7] =	wrdreg s15  }
0x80: {  	s30 =	sadd.s32 $0x4480, s19;
	[dreg:$0xa] =	wrdreg s22;
	s22 =	sadd.s32 $0x480, s19  }
0x81: {  	s15 =	sadd.s32 $0x4780, s19;
	s18 =	sadd.s32 $0x580, s19;
	s23 =	sadd.s32 $0x800, s19;
	(v2sf) =	vpush v63, $0x3  }
0x82: {  	s28 =	sadd.s32 $0xB00, s19;
	s5 =	sadd.s32 $0x4600, s19;
	[dreg:$0xb] =	wrdreg s23  }
0x83: {  	s31 =	sadd.s32 $0x4400, s19;
	s2 =	sadd.s32 $0x400, s19;
	(v2sf) =	vpush v1, $0x4;
	s8 =	spop (v2sf)  }
0x84: {  	s6 =	sadd.s32 $0x4A80, s19;
	s23 =	sand.u32 $0x1FFFFFF0, s8;
	s26 =	spop (v2sf)  }
0x85: {  	(v2sf) =	vpush v63, $0x4;
	s23 =	sadd.s32 s3, s23;
	s10 =	sand.u32 $0x1FFFFFF0, s26;
	s26 =	spop (v2sf)  }
0x86: {  	[tilespmem:s2], [sflag:$0x1] =	stream.linear.gather [hbm4b:s23+s1], $0x80, $0x38;
	[tilespmem:$0x8400] =	vst v63  }
0x87: {  	(v2sf) =	vpush v1, $0x5;
	s10 =	sadd.s32 s4, s10;
	s23 =	sand.u32 $0x1FFFFFF0, s26;
	s26 =	spop (v2sf)  }
0x88: {  	(v2sf) =	vpush v63, $0x5;
	[tilespmem:s31], [sflag:$0x1] =	stream.linear.gather [hbm4b:s10+s1], $0x80, $0x38;
	[tilespmem:$0x8400] =	vst v63  }
0x89: {  	s7 =	sadd.s32 $0x4B00, s19;
	s24 =	sadd.s32 $0x10, s24;
	s31 =	spop (v2sf)  }
0x8a: {  	s26 =	sand.u32 $0x1FFFFFF0, s26;
	s10 =	sadd.s32 s3, s23;
	(v2sf) =	vpush v1, $0x6;
	s23 =	spop (v2sf)  }
0x8b: {  	[tilespmem:s22], [sflag:$0x1] =	stream.linear.gather [hbm4b:s10+s1], $0x80, $0x38;
	[tilespmem:$0x8400] =	vst v63  }
0x8c: {  	(v2sf) =	vpush v63, $0x6;
	s10 =	sadd.s32 s4, s26;
	s22 =	sand.u32 $0x1FFFFFF0, s31;
	s31 =	spop (v2sf)  }
0x8d: {  	(v2sf) =	vpush v1, $0x7;
	[tilespmem:s30], [sflag:$0x1] =	stream.linear.gather [hbm4b:s10+s1], $0x80, $0x38;
	[tilespmem:$0x8400] =	vst v63  }
0x8e: {  	s25 =	sadd.s32 $0x10, s25;
	s26 =	sadd.s32 s3, s22;
	s30 =	sand.u32 $0x1FFFFFF0, s23  }
0x8f: {  	[tilespmem:s21], [sflag:$0x1] =	stream.linear.gather [hbm4b:s26+s1], $0x80, $0x38;
	[tilespmem:$0x8400] =	vst v63  }
0x90: {  	s22 =	sand.u32 $0x1FFFFFF0, s31;
	s23 =	spop (v2sf);
	s21 =	sadd.s32 s4, s30  }
0x91: {  	(v2sf) =	vpush v63, $0x7;
	[tilespmem:s0], [sflag:$0x1] =	stream.linear.gather [hbm4b:s21+s1], $0x80, $0x38;
	[tilespmem:$0x8400] =	vst v63  }
0x92: {  	s31 =	spop (v2sf);
	s26 =	sadd.s32 s3, s22;
	s30 =	sand.u32 $0x1FFFFFF0, s23  }
0x93: {  	[tilespmem:s18], [sflag:$0x1] =	stream.linear.gather [hbm4b:s26+s1], $0x80, $0x38;
	[tilespmem:$0x8400] =	vst v63  }
0x94: {  	s22 =	sand.u32 $0x1FFFFFF0, s31;
	s21 =	sadd.s32 s4, s30;
	s23 =	spop (v2sf)  }
0x95: {  	(v2sf) =	vpush v1, $0x8;
	[tilespmem:s17], [sflag:$0x1] =	stream.linear.gather [hbm4b:s21+s1], $0x80, $0x38;
	[tilespmem:$0x8400] =	vst v63  }
0x96: {  	s8 =	sadd.s32 $0x980, s19;
	s26 =	sadd.s32 s3, s22;
	s31 =	spop (v2sf)  }
0x97: {  	(v2sf) =	vpush v63, $0x8;
	s30 =	sand.u32 $0x1FFFFFF0, s23;
	s23 =	rddreg [dreg:$0xc];
	s17 =	spop (v2sf)  }
0x98: {  	(v2sf) =	vpush v1, $0x9;
	[tilespmem:s11], [sflag:$0x1] =	stream.linear.gather [hbm4b:s26+s1], $0x80, $0x38;
	[tilespmem:$0x8400] =	vst v63  }
0x99: {  	s2 =	sadd.s32 s4, s30;
	s11 =	sand.u32 $0x1FFFFFF0, s31;
	s22 =	spop (v2sf)  }
0x9a: {  	[tilespmem:s5], [sflag:$0x1] =	stream.linear.gather [hbm4b:s2+s1], $0x80, $0x38;
	[tilespmem:$0x8400] =	vst v63  }
0x9b: {  	s21 =	sand.u32 $0x1FFFFFF0, s17;
	s18 =	sadd.s32 s3, s11;
	s31 =	spop (v2sf)  }
0x9c: {  	(v2sf) =	vpush v63, $0x9;
	s26 =	sadd.s32 s4, s21;
	s30 =	sand.u32 $0x1FFFFFF0, s22;
	s11 =	spop (v2sf)  }
0x9d: {  	[tilespmem:s23], [sflag:$0x1] =	stream.linear.gather [hbm4b:s18+s1], $0x80, $0x38;
	[tilespmem:$0x8400] =	vst v63  }
0x9e: {  	(v2sf) =	vpush v1, $0xA;
	s5 =	sadd.s32 s3, s30;
	s10 =	sand.u32 $0x1FFFFFF0, s31;
	s17 =	sand.u32 $0x1FFFFFF0, s11  }
0x9f: {  	[tilespmem:s12], [sflag:$0x1] =	stream.linear.gather [hbm4b:s26+s1], $0x80, $0x38;
	[tilespmem:$0x8400] =	vst v63  }
0xa0: {  	(v2sf) =	vpush v63, $0xA;
	s11 =	rddreg [dreg:$0xb];
	s18 =	spop (v2sf);
	s21 =	sadd.s32 s3, s17  }
0xa1: {  	[tilespmem:s9], [sflag:$0x1] =	stream.linear.gather [hbm4b:s5+s1], $0x80, $0x38;
	[tilespmem:$0x8400] =	vst v63  }
0xa2: {  	s17 =	rddreg [dreg:$0xa];
	s12 =	sadd.s32 s4, s10;
	s22 =	sand.u32 $0x1FFFFFF0, s18  }
0xa3: {  	[tilespmem:s13], [sflag:$0x1] =	stream.linear.gather [hbm4b:s12+s1], $0x80, $0x38;
	[tilespmem:$0x8400] =	vst v63  }
0xa4: {  	(v2sf) =	vpush v1, $0xB;
	s10 =	smov.u32 s6;
	s23 =	spop (v2sf);
	s26 =	sadd.s32 s4, s22  }
0xa5: {  	[tilespmem:s14], [sflag:$0x1] =	stream.linear.gather [hbm4b:s21+s1], $0x80, $0x38;
	[tilespmem:$0x8400] =	vst v63  }
0xa6: {  	(v2sf) =	vpush v63, $0xB;
	s30 =	sand.u32 $0x1FFFFFF0, s23;
	s23 =	rddreg [dreg:$0x6];
	s31 =	spop (v2sf)  }
0xa7: {  	(v2sf) =	vpush v1, $0xC;
	s2 =	sadd.s32 s3, s30;
	s5 =	sand.u32 $0x1FFFFFF0, s31;
	s9 =	spop (v2sf)  }
0xa8: {  	[tilespmem:s15], [sflag:$0x1] =	stream.linear.gather [hbm4b:s26+s1], $0x80, $0x38;
	[tilespmem:$0x8400] =	vst v63  }
0xa9: {  	(v2sf) =	vpush v63, $0xC;
	s15 =	rddreg [dreg:$0x9];
	s12 =	sadd.s32 s4, s5;
	s13 =	sand.u32 $0x1FFFFFF0, s9  }
0xaa: {  	[tilespmem:s11], [sflag:$0x1] =	stream.linear.gather [hbm4b:s2+s1], $0x80, $0x38;
	[tilespmem:$0x8400] =	vst v63  }
0xab: {  	s14 =	spop (v2sf);
	s9 =	rddreg [dreg:$0x8];
	s18 =	sadd.s32 s3, s13  }
0xac: {  	[tilespmem:s17], [sflag:$0x1] =	stream.linear.gather [hbm4b:s12+s1], $0x80, $0x38;
	[tilespmem:$0x8400] =	vst v63  }
0xad: {  	s21 =	sand.u32 $0x1FFFFFF0, s14;
	s14 =	rddreg [dreg:$0x7];
	s22 =	spop (v2sf)  }
0xae: {  	[tilespmem:s23], [sflag:$0x1] =	stream.linear.gather [hbm4b:s18+s1], $0x80, $0x38;
	[tilespmem:$0x8400] =	vst v63  }
0xaf: {  	s26 =	sadd.s32 s4, s21;
	s30 =	sand.u32 $0x1FFFFFF0, s22;
	s31 =	spop (v2sf)  }
0xb0: {  	[tilespmem:s9], [sflag:$0x1] =	stream.linear.gather [hbm4b:s26+s1], $0x80, $0x38;
	[tilespmem:$0x8400] =	vst v63  }
0xb1: {  	s22 =	rddreg [dreg:$0x4];
	s11 =	sadd.s32 s3, s30;
	s12 =	sand.u32 $0x1FFFFFF0, s31  }
0xb2: {  	[tilespmem:s14], [sflag:$0x1] =	stream.linear.gather [hbm4b:s11+s1], $0x80, $0x38;
	[tilespmem:$0x8400] =	vst v63  }
0xb3: {  	s13 =	spop (v2sf);
	s31 =	rddreg [dreg:$0x5];
	s17 =	sadd.s32 s4, s12  }
0xb4: {  	(v2sf) =	vpush v1, $0xD;
	[tilespmem:s22], [sflag:$0x1] =	stream.linear.gather [hbm4b:s17+s1], $0x80, $0x38;
	[tilespmem:$0x8400] =	vst v63  }
.Ltmp0:
0xb5: {  	(v2sf) =	vpush v63, $0xD;
	s18 =	sand.u32 $0x1FFFFFF0, s13;
	s21 =	spop (v2sf);
	(pc) =	sbr.rel @p0 .LBB2_3-.Ltmp0, $4  }
0xb6: {  	(v2sf) =	vpush v1, $0xE;
	s23 =	sadd.s32 s3, s18;
	s30 =	spop (v2sf);
	s26 =	sand.u32 $0x1FFFFFF0, s21  }
0xb7: {  	(v2sf) =	vpush v63, $0xE;
	[tilespmem:s8], [sflag:$0x1] =	stream.linear.gather [hbm4b:s23+s1], $0x80, $0x38;
	[tilespmem:$0x8400] =	vst v63  }
0xb8: {  	(v2sf) =	vpush v1, $0xF;
	s0 =	sand.u32 $0x1FFFFFF0, s30;
	s2 =	sadd.s32 s4, s26;
	s5 =	spop (v2sf)  }
0xb9: {  	(v2sf) =	vpush v63, $0xF;
	[tilespmem:s31], [sflag:$0x1] =	stream.linear.gather [hbm4b:s2+s1], $0x80, $0x38;
	[tilespmem:$0x8400] =	vst v63  }
0xba: {  	_ =	sdelay $0x4  }
0xbb: {  	s0 =	sadd.s32 s3, s0;
	s2 =	sand.u32 $0x1FFFFFF0, s5  }
0xbc: {  	[tilespmem:s29], [sflag:$0x1] =	stream.linear.gather [hbm4b:s0+s1], $0x80, $0x38;
	[tilespmem:$0x8400] =	vst v63  }
0xbd: {  	s29 =	sadd.s32 s4, s2  }
0xbe: {  	[tilespmem:s15], [sflag:$0x1] =	stream.linear.gather [hbm4b:s29+s1], $0x80, $0x38;
	[tilespmem:$0x8400] =	vst v63  }
0xbf: {  	s26 =	spop (v2sf)  }
0xc0: {  	s30 =	sand.u32 $0x1FFFFFF0, s26;
	s31 =	spop (v2sf)  }
0xc1: {  	s2 =	sadd.s32 s3, s30;
	s6 =	sand.u32 $0x1FFFFFF0, s31;
	s8 =	spop (v2sf)  }
0xc2: {  	[tilespmem:s16], [sflag:$0x1] =	stream.linear.gather [hbm4b:s2+s1], $0x80, $0x38;
	[tilespmem:$0x8400] =	vst v63  }
0xc3: {  	s9 =	sadd.s32 s4, s6;
	s11 =	sand.u32 $0x1FFFFFF0, s8;
	s12 =	spop (v2sf)  }
0xc4: {  	[tilespmem:s10], [sflag:$0x1] =	stream.linear.gather [hbm4b:s9+s1], $0x80, $0x38;
	[tilespmem:$0x8400] =	vst v63  }
0xc5: {  	s13 =	sadd.s32 s3, s11;
	s14 =	sand.u32 $0x1FFFFFF0, s12;
	s15 =	spop (v2sf)  }
0xc6: {  	[tilespmem:s28], [sflag:$0x1] =	stream.linear.gather [hbm4b:s13+s1], $0x80, $0x38;
	[tilespmem:$0x8400] =	vst v63  }
0xc7: {  	s16 =	sadd.s32 s4, s14;
	s17 =	sand.u32 $0x1FFFFFF0, s15;
	s18 =	spop (v2sf)  }
0xc8: {  	[tilespmem:s7], [sflag:$0x1] =	stream.linear.gather [hbm4b:s16+s1], $0x80, $0x38;
	[tilespmem:$0x8400] =	vst v63  }
0xc9: {  	s20 =	sadd.s32 $0xB80, s19;
	s2 =	sadd.s32 s3, s17;
	s5 =	sand.u32 $0x1FFFFFF0, s18  }
0xca: {  	[tilespmem:s20], [sflag:$0x1] =	stream.linear.gather [hbm4b:s2+s1], $0x80, $0x38;
	[tilespmem:$0x8400] =	vst v63  }
0xcb: {  	s21 =	sadd.s32 $0x4B80, s19;
	s23 =	simm.s32 $0x1;
	s22 =	sadd.s32 s4, s5  }
0xcc: {  	[tilespmem:s21], [sflag:$0x1] =	stream.linear.gather [hbm4b:s22+s1], $0x80, $0x38;
	[tilespmem:$0x8400] =	vst v63  }
0xcd: {  	_ =	swait.ge [sflag:s23], $0x4000  }
0xce: {  	[sflag:s23] =	ssyncset.done $0x0  }
0xcf: {  	[sflag:s23] =	ssyncadd.s32 $0xFFFFC000  }
0xd0: {  	_ =	swait.ge [sflag:s23], $0x4000  }
0xd1: {  	s6 =	rddreg [dreg:$0x16]  }
0xd2: {  	s29 =	simm.s32 $0x2;
	s25 =	rddreg [dreg:$0x11];
	s24 =	sshll.u32 s6, $0xB  }
0xd3: {  	[sflag:s23] =	ssyncset.done $0x0;
	s26 =	rddreg [dreg:$0xd];
	s0 =	sadd.s32 s25, s24  }
0xd4: {  	s28 =	simm.s32 $0x400;
	[sflag:s23] =	ssyncadd.s32 $0xFFFFC000;
	s2 =	sadd.s32 s26, s0  }
0xd5: {  	[hbm4b:s2+s1] =	stream.linear.scatter [tilespmem:s28], [sflag:$0x2], $0x4000, $0x38;
	[tilespmem:$0x8400] =	vst v63  }
0xd6: {  	s31 =	simm.s32 $0x4400;
	_ =	swait.ge [sflag:s29], $0x4000  }
0xd7: {  	s6 =	sadd.s32 $0x1, s6;
	[sflag:s29] =	ssyncset.done $0x0;
	s30 =	rddreg [dreg:$0xe]  }
0xd8: {  	p0 =	sne.s32 s6, $0x4;
	[sflag:s29] =	ssyncadd.s32 $0xFFFFC000;
	s0 =	sadd.s32 s30, s0  }
0xd9: {  	[hbm4b:s0+s1] =	stream.linear.scatter [tilespmem:s31], [sflag:$0x2], $0x4000, $0x38;
	[tilespmem:$0x8400] =	vst v63  }
.Ltmp1:
0xda: {  	_ = 	snop;
	(pc) =	sbr.rel @p0 .LBB2_2-.Ltmp1, $4  }
0xdb: {  	_ =	swait.ge [sflag:s29], $0x4000  }
0xdc: {  	s13 =	rddreg [dreg:$0x14]  }
0xdd: {  	[sflag:s29] =	ssyncset.done $0x0;
	s14 =	rddreg [dreg:$0x15]  }
0xde: {  	[sflag:s29] =	ssyncadd.s32 $0xFFFFC000;
	s13 =	sadd.s32 $0x80, s13;
	s14 =	sadd.s32 $0x80, s14  }
0xdf: {  	s2 =	rddreg [dreg:$0x13]  }
0xe0: {  	s0 =	rddreg [dreg:$0x12];
	s2 =	sadd.s32 $0x1, s2  }
0xe1: {  	p0 =	sne.s32 s2, s0  }
.Ltmp2:
0xe2: {  	_ = 	snop;
	(pc) =	sbr.rel @p0 .LBB2_1-.Ltmp2, $1  }
0xe3: {  	_ =	sdelay $0x3  }
0xe4: {  	_ =	sfence.sel $0x180000  }
0xe5: {  	[bflag:$0x0] =	sbarrier.arrive $0xFFFF  }
0xe6: {  	_ =	strace $0x90000047  }
0xe7: {  	s0 =	stileid.u32;
	[bflag:$0x2] =	sbarrier.arrive $0xFFFF  }
0xe8: {  	p0 =	sne.s32 s0, $0x0;
	s0 =	rddreg [dreg:$0x3]  }
0xe9: {  	s0 =	sadd.s32 @!p0 $0x100000, s0  }
0xea: {  	[sflag:s0] =	ssyncadd.tile.s32 @!p0 $0x1;
	_ =	shalt  }
.Lfunc_end2:
_tile_overlayer_lowered:
.L_overlay_start_2:
0xeb: {  	(tag) =	ssettag $0x2  }
0xec: {  	s0 =	rddreg [dreg:$0x0];
	s2 =	stileid.u32  }
0xed: {  	s1 =	rddreg [dreg:$0x1];
	p0 =	sne.s32 s2, $0x0  }
0xee: {  	s3 =	rddreg [dreg:$0x2];
	[bflag:$0x3] =	sbarrier.arrive $0xFFFF;
	s2 =	simm.s32 @!p0 $0x1C02  }
0xef: {  	[timem:s3], [sflag:s2] =	dma.local @!p0 [hbm:s0], s1  }
0xf0: {  	s0 =	simm.s32 @!p0 $0x2  }
0xf1: {  	_ =	swait.ge @!p0 [sflag:s0], s1  }
0xf2: {  	s1 =	ssub.s32 @!p0 $0x0, s1;
	[sflag:s0] =	ssyncset.done @!p0 $0x0  }
0xf3: {  	[sflag:s0] =	ssyncadd.s32 @!p0 s1  }
0xf4: {  	[bflag:$0x3] =	sbarrier.arrive $0xFFFF  }
0xf5: {  	_ =	shalt  }

</sc_bundles>
